<compile_context>
chip_gen: v7x
topology: tpu7x:2x2x1
jax: 0.10.2.dev20260603
libtpu: 0.0.44.dev20260713+nightly
codegen_flags: <defaults>
</compile_context>

<pallas_src>
import functools
import math
import random

import numpy as np
import jax
import jax.numpy as jnp
from jax import lax
from jax.experimental import pallas as pl
from jax.experimental.pallas import tpu as pltpu
from jax.experimental.pallas import tpu_sc as plsc


@functools.lru_cache(maxsize=None)
def _shuffle_tables(T, B):
    n = int(math.sqrt(T))

    def one(rand):
        fi = np.arange(T).reshape(n, n)
        if rand == 0:
            a = fi[:, 0::2].copy()
            b = fi[:, 1::2].copy()
        else:
            a = fi[:, 1::2].copy()
            b = fi[:, 0::2].copy()
        for i in range(16):
            if i % 2 != 0:
                tmp = a[i].copy()
                a[i] = b[i]
                b[i] = tmp
        fwd = np.concatenate((a, b)).reshape(-1)
        return fwd, np.argsort(fwd)

    rng = random.Random(0)
    pairs = [one(rng.randint(0, 1)) for _ in range(B)]
    fwd = np.stack([p[0] for p in pairs], axis=-1).astype(np.int32)
    bwd = np.stack([p[1] for p in pairs], axis=-1).astype(np.int32)
    return fwd, bwd


@functools.lru_cache(maxsize=None)
def _build_gather(R, C, n_rows):
    info = plsc.get_sparse_core_info()
    num_workers = info.num_cores * info.num_subcores
    rows_w = R // num_workers
    chunk = 16
    nbuf = 8
    n_chunks = rows_w // chunk
    assert rows_w % chunk == 0 and n_chunks >= nbuf

    mesh = plsc.VectorSubcoreMesh(core_axis_name="c", subcore_axis_name="s")

    @functools.partial(
        pl.kernel,
        mesh=mesh,
        out_type=jax.ShapeDtypeStruct((R, C), jnp.float32),
        scratch_types=(
            [pltpu.VMEM((rows_w,), jnp.int32)]
            + [pltpu.VMEM((chunk, C), jnp.float32) for _ in range(nbuf)]
            + [pltpu.SemaphoreType.DMA for _ in range(2 * nbuf)]
        ),
    )
    def gather_rows(flat_hbm, gidx_hbm, out_hbm, idx_v, *bufs_and_sems):
        bufs = bufs_and_sems[:nbuf]
        gsem = bufs_and_sems[nbuf:2 * nbuf]
        ssem = bufs_and_sems[2 * nbuf:]
        wid = lax.axis_index("s") * info.num_cores + lax.axis_index("c")
        base = wid * rows_w
        pltpu.sync_copy(gidx_hbm.at[pl.ds(base, rows_w)], idx_v)

        def gather_desc(c, j):
            return pltpu.make_async_copy(
                flat_hbm.at[idx_v.at[pl.ds(c * chunk, chunk)]],
                bufs[j], gsem[j])

        def scatter_desc(c, j):
            return pltpu.make_async_copy(
                bufs[j], out_hbm.at[pl.ds(base + c * chunk, chunk)], ssem[j])

        n_groups = n_chunks // nbuf
        assert n_chunks % nbuf == 0 and n_groups >= 2


        for j in range(nbuf - 1):
            gather_desc(j, j).start()
        gather_desc(0, 0).wait()
        gather_desc(nbuf - 1, nbuf - 1).start()
        scatter_desc(0, 0).start()
        for j in range(1, nbuf):
            gather_desc(j, j).wait()
            scatter_desc(j - 1, j - 1).wait()
            gather_desc(j + nbuf - 1, j - 1).start()
            scatter_desc(j, j).start()

        def group_body(g, carry):
            c0 = g * nbuf
            for j in range(nbuf):
                c = c0 + j
                gather_desc(c, j).wait()
                scatter_desc(c - 1, (j - 1) % nbuf).wait()
                gather_desc(c + nbuf - 1, (j - 1) % nbuf).start()
                scatter_desc(c, j).start()
            return carry

        if n_groups > 2:
            lax.fori_loop(1, n_groups - 1, group_body, 0, unroll=False)

        c0 = (n_groups - 1) * nbuf
        for j in range(nbuf):
            c = c0 + j
            gather_desc(c, j).wait()
            scatter_desc(c - 1, (j - 1) % nbuf).wait()
            if c + nbuf - 1 < n_chunks:
                gather_desc(c + nbuf - 1, (j - 1) % nbuf).start()
            scatter_desc(c, j).start()
        scatter_desc(n_chunks - 1, nbuf - 1).wait()

    return gather_rows


def kernel(patches):
    T, B, C = patches.shape
    remain_T = T // 2
    fwd_np, bwd_np = _shuffle_tables(T, B)
    gidx_np = (fwd_np[:remain_T].astype(np.int64) * B
               + np.arange(B, dtype=np.int64)[None, :]).reshape(-1)
    gidx = jnp.asarray(gidx_np.astype(np.int32))
    flat = patches.reshape(T * B, C)
    R = remain_T * B
    out = _build_gather(R, C, T * B)(flat, gidx)
    shuffled = out.reshape(remain_T, B, C)
    return (shuffled,
            jnp.asarray(fwd_np, dtype=jnp.int32),
            jnp.asarray(bwd_np, dtype=jnp.int32))

# --- scband reference (transcript-rebuilt; emitter-appended) ---
"""Pipeline reference for scband-patch-shuffle-mosaic-8667244003446 (READ-ONLY COPY).

The authoritative reference and input builder live on the scoring server;
editing this copy changes nothing except your own understanding.
"""

import jax, jax.numpy as jnp
import numpy as np
import math
import random


def _mosaic_indexes(size, rand):
    n = int(math.sqrt(size))
    forward_indexes = np.arange(size).reshape(n, n)
    if rand == 0:
        a = forward_indexes[:, 0::2].copy()
        b = forward_indexes[:, 1::2].copy()
    else:
        a = forward_indexes[:, 1::2].copy()
        b = forward_indexes[:, 0::2].copy()
    for i in range(16):
        if i % 2 != 0:
            temps = a[i].copy()
            a[i] = b[i]
            b[i] = temps
    forward_indexes = np.concatenate((a, b)).reshape(-1)
    backward_indexes = np.argsort(forward_indexes)
    return forward_indexes, backward_indexes


def setup_inputs(seed: int = 0) -> dict:
    key = jax.random.key(seed)
    patches = jax.random.normal(key, (256, 256, 768), dtype=jnp.float32)
    return {"patches": patches}


def reference(patches):
    T, B, C = patches.shape
    remain_T = int(T * (1 - 0.5))
    # deterministic stand-in for random.randint(0, 1) per batch element
    rng = random.Random(0)
    indexes = [_mosaic_indexes(T, rng.randint(0, 1)) for _ in range(B)]
    fwd_np = np.stack([i[0] for i in indexes], axis=-1)  # [T, B]
    bwd_np = np.stack([i[1] for i in indexes], axis=-1)  # [T, B]
    forward_indexes = jnp.asarray(fwd_np, dtype=jnp.int32)
    backward_indexes = jnp.asarray(bwd_np, dtype=jnp.int32)
    # take_indexes: gather along dim 0 with per-(t,b) index, broadcast over C
    idx = jnp.broadcast_to(forward_indexes[:, :, None], (T, B, C))
    shuffled = jnp.take_along_axis(patches, idx, axis=0)
    shuffled = shuffled[:remain_T]
    return shuffled, forward_indexes, backward_indexes

if __name__ == "__main__":
    import jax
    _d = setup_inputs()
    print(jax.jit(kernel)(*tuple(_d.values())))

</pallas_src>

<mosaic_0001>
#map = affine_map<(d0, d1) -> (0, 0)>
#map1 = affine_map<(d0, d1) -> (0)>
module attributes {stable_mosaic.version = 14 : i64} {
  func.func @gather_rows(%arg0: i32, %arg1: i32, %arg2: memref<65536x768xf32, #tpu.memory_space<hbm>>, %arg3: memref<32768xi32, #tpu.memory_space<hbm>>, %arg4: memref<32768x768xf32, #tpu.memory_space<hbm>>, %arg5: memref<1024xi32, #tpu.memory_space<vmem>>, %arg6: memref<16x768xf32, #tpu.memory_space<vmem>>, %arg7: memref<16x768xf32, #tpu.memory_space<vmem>>, %arg8: memref<16x768xf32, #tpu.memory_space<vmem>>, %arg9: memref<16x768xf32, #tpu.memory_space<vmem>>, %arg10: memref<16x768xf32, #tpu.memory_space<vmem>>, %arg11: memref<16x768xf32, #tpu.memory_space<vmem>>, %arg12: memref<16x768xf32, #tpu.memory_space<vmem>>, %arg13: memref<16x768xf32, #tpu.memory_space<vmem>>, %arg14: memref<!tpu.dma_semaphore, #tpu.memory_space<semaphore_mem>>, %arg15: memref<!tpu.dma_semaphore, #tpu.memory_space<semaphore_mem>>, %arg16: memref<!tpu.dma_semaphore, #tpu.memory_space<semaphore_mem>>, %arg17: memref<!tpu.dma_semaphore, #tpu.memory_space<semaphore_mem>>, %arg18: memref<!tpu.dma_semaphore, #tpu.memory_space<semaphore_mem>>, %arg19: memref<!tpu.dma_semaphore, #tpu.memory_space<semaphore_mem>>, %arg20: memref<!tpu.dma_semaphore, #tpu.memory_space<semaphore_mem>>, %arg21: memref<!tpu.dma_semaphore, #tpu.memory_space<semaphore_mem>>, %arg22: memref<!tpu.dma_semaphore, #tpu.memory_space<semaphore_mem>>, %arg23: memref<!tpu.dma_semaphore, #tpu.memory_space<semaphore_mem>>, %arg24: memref<!tpu.dma_semaphore, #tpu.memory_space<semaphore_mem>>, %arg25: memref<!tpu.dma_semaphore, #tpu.memory_space<semaphore_mem>>, %arg26: memref<!tpu.dma_semaphore, #tpu.memory_space<semaphore_mem>>, %arg27: memref<!tpu.dma_semaphore, #tpu.memory_space<semaphore_mem>>, %arg28: memref<!tpu.dma_semaphore, #tpu.memory_space<semaphore_mem>>, %arg29: memref<!tpu.dma_semaphore, #tpu.memory_space<semaphore_mem>>) attributes {dimension_semantics = [#tpu.dimension_semantics<core_parallel>, #tpu.dimension_semantics<subcore_parallel>], iteration_bounds = array<i64: 2, 16>, scalar_prefetch = 0 : i64, scratch_operands = 25 : i64, tpu.core_type = #tpu.core_type<sc_vector_subcore>, window_params = [{transform_indices = #map}, {transform_indices = #map1}, {transform_indices = #map}]} {
    %mul3A = arith.constant 2 : i32
    %mul3A_0 = arith.muli %arg1, %mul3A : i32
    %add3A = arith.addi %mul3A_0, %arg0 : i32
    %mul3A_1 = arith.constant 1024 : i32
    %mul3A_2 = arith.muli %add3A, %mul3A_1 : i32
    "tpu.region"() ({
      %run_scoped3A = tpu.sem_alloc : memref<!tpu.dma_semaphore, #tpu.memory_space<semaphore_mem>>
      %dma_start3A_358 = tpu.memref_slice %arg3[%mul3A_2] : memref<32768xi32, #tpu.memory_space<hbm>> -> memref<1024xi32, #tpu.memory_space<hbm>>
      %dma_start3A_359 = tpu.memref_slice %arg3[%mul3A_2] : memref<32768xi32, #tpu.memory_space<hbm>> -> memref<1024xi32, #tpu.memory_space<hbm>>
      tpu.enqueue_dma source(%dma_start3A_359 : memref<1024xi32, #tpu.memory_space<hbm>>) target(%arg5 : memref<1024xi32, #tpu.memory_space<vmem>>) target_semaphore(%run_scoped3A : memref<!tpu.dma_semaphore, #tpu.memory_space<semaphore_mem>>)
      %dma_wait3A_360 = tpu.memref_slice %arg3[%mul3A_2] : memref<32768xi32, #tpu.memory_space<hbm>> -> memref<1024xi32, #tpu.memory_space<hbm>>
      %dma_wait3A_361 = tpu.memref_slice %arg3[%mul3A_2] : memref<32768xi32, #tpu.memory_space<hbm>> -> memref<1024xi32, #tpu.memory_space<hbm>>
      tpu.wait_dma2 semaphore(%run_scoped3A : memref<!tpu.dma_semaphore, #tpu.memory_space<semaphore_mem>>) src(%dma_wait3A_361 : memref<1024xi32, #tpu.memory_space<hbm>>) dst(%arg5 : memref<1024xi32, #tpu.memory_space<vmem>>)
      tpu.yield
    }) : () -> ()
    %dma_start3A = arith.constant 0 : i32
    %dma_start3A_3 = tpu.memref_slice %arg5[%dma_start3A] : memref<1024xi32, #tpu.memory_space<vmem>> -> memref<16xi32, #tpu.memory_space<vmem>>
    %dma_start3A_4 = arith.constant 0 : i32
    %dma_start3A_5 = arith.constant 0 : i32
    %dma_start3A_6 = tpu.memref_slice %arg2[%dma_start3A_4, %dma_start3A_5] : memref<65536x768xf32, #tpu.memory_space<hbm>> -> memref<65536x768xf32, #tpu.memory_space<hbm>>
    tpu.enqueue_indirect_dma source(%dma_start3A_6 : memref<65536x768xf32, #tpu.memory_space<hbm>>) target(%arg6 : memref<16x768xf32, #tpu.memory_space<vmem>>) offsets(%dma_start3A_3 : memref<16xi32, #tpu.memory_space<vmem>>) semaphore(%arg14 : memref<!tpu.dma_semaphore, #tpu.memory_space<semaphore_mem>>)
    %dma_start3A_7 = arith.constant 16 : i32
    %dma_start3A_8 = tpu.memref_slice %arg5[%dma_start3A_7] : memref<1024xi32, #tpu.memory_space<vmem>> -> memref<16xi32, #tpu.memory_space<vmem>>
    %dma_start3A_9 = arith.constant 0 : i32
    %dma_start3A_10 = arith.constant 0 : i32
    %dma_start3A_11 = tpu.memref_slice %arg2[%dma_start3A_9, %dma_start3A_10] : memref<65536x768xf32, #tpu.memory_space<hbm>> -> memref<65536x768xf32, #tpu.memory_space<hbm>>
    tpu.enqueue_indirect_dma source(%dma_start3A_11 : memref<65536x768xf32, #tpu.memory_space<hbm>>) target(%arg7 : memref<16x768xf32, #tpu.memory_space<vmem>>) offsets(%dma_start3A_8 : memref<16xi32, #tpu.memory_space<vmem>>) semaphore(%arg15 : memref<!tpu.dma_semaphore, #tpu.memory_space<semaphore_mem>>)
    %dma_start3A_12 = arith.constant 32 : i32
    %dma_start3A_13 = tpu.memref_slice %arg5[%dma_start3A_12] : memref<1024xi32, #tpu.memory_space<vmem>> -> memref<16xi32, #tpu.memory_space<vmem>>
    %dma_start3A_14 = arith.constant 0 : i32
    %dma_start3A_15 = arith.constant 0 : i32
    %dma_start3A_16 = tpu.memref_slice %arg2[%dma_start3A_14, %dma_start3A_15] : memref<65536x768xf32, #tpu.memory_space<hbm>> -> memref<65536x768xf32, #tpu.memory_space<hbm>>
    tpu.enqueue_indirect_dma source(%dma_start3A_16 : memref<65536x768xf32, #tpu.memory_space<hbm>>) target(%arg8 : memref<16x768xf32, #tpu.memory_space<vmem>>) offsets(%dma_start3A_13 : memref<16xi32, #tpu.memory_space<vmem>>) semaphore(%arg16 : memref<!tpu.dma_semaphore, #tpu.memory_space<semaphore_mem>>)
    %dma_start3A_17 = arith.constant 48 : i32
    %dma_start3A_18 = tpu.memref_slice %arg5[%dma_start3A_17] : memref<1024xi32, #tpu.memory_space<vmem>> -> memref<16xi32, #tpu.memory_space<vmem>>
    %dma_start3A_19 = arith.constant 0 : i32
    %dma_start3A_20 = arith.constant 0 : i32
    %dma_start3A_21 = tpu.memref_slice %arg2[%dma_start3A_19, %dma_start3A_20] : memref<65536x768xf32, #tpu.memory_space<hbm>> -> memref<65536x768xf32, #tpu.memory_space<hbm>>
    tpu.enqueue_indirect_dma source(%dma_start3A_21 : memref<65536x768xf32, #tpu.memory_space<hbm>>) target(%arg9 : memref<16x768xf32, #tpu.memory_space<vmem>>) offsets(%dma_start3A_18 : memref<16xi32, #tpu.memory_space<vmem>>) semaphore(%arg17 : memref<!tpu.dma_semaphore, #tpu.memory_space<semaphore_mem>>)
    %dma_start3A_22 = arith.constant 64 : i32
    %dma_start3A_23 = tpu.memref_slice %arg5[%dma_start3A_22] : memref<1024xi32, #tpu.memory_space<vmem>> -> memref<16xi32, #tpu.memory_space<vmem>>
    %dma_start3A_24 = arith.constant 0 : i32
    %dma_start3A_25 = arith.constant 0 : i32
    %dma_start3A_26 = tpu.memref_slice %arg2[%dma_start3A_24, %dma_start3A_25] : memref<65536x768xf32, #tpu.memory_space<hbm>> -> memref<65536x768xf32, #tpu.memory_space<hbm>>
    tpu.enqueue_indirect_dma source(%dma_start3A_26 : memref<65536x768xf32, #tpu.memory_space<hbm>>) target(%arg10 : memref<16x768xf32, #tpu.memory_space<vmem>>) offsets(%dma_start3A_23 : memref<16xi32, #tpu.memory_space<vmem>>) semaphore(%arg18 : memref<!tpu.dma_semaphore, #tpu.memory_space<semaphore_mem>>)
    %dma_start3A_27 = arith.constant 80 : i32
    %dma_start3A_28 = tpu.memref_slice %arg5[%dma_start3A_27] : memref<1024xi32, #tpu.memory_space<vmem>> -> memref<16xi32, #tpu.memory_space<vmem>>
    %dma_start3A_29 = arith.constant 0 : i32
    %dma_start3A_30 = arith.constant 0 : i32
    %dma_start3A_31 = tpu.memref_slice %arg2[%dma_start3A_29, %dma_start3A_30] : memref<65536x768xf32, #tpu.memory_space<hbm>> -> memref<65536x768xf32, #tpu.memory_space<hbm>>
    tpu.enqueue_indirect_dma source(%dma_start3A_31 : memref<65536x768xf32, #tpu.memory_space<hbm>>) target(%arg11 : memref<16x768xf32, #tpu.memory_space<vmem>>) offsets(%dma_start3A_28 : memref<16xi32, #tpu.memory_space<vmem>>) semaphore(%arg19 : memref<!tpu.dma_semaphore, #tpu.memory_space<semaphore_mem>>)
    %dma_start3A_32 = arith.constant 96 : i32
    %dma_start3A_33 = tpu.memref_slice %arg5[%dma_start3A_32] : memref<1024xi32, #tpu.memory_space<vmem>> -> memref<16xi32, #tpu.memory_space<vmem>>
    %dma_start3A_34 = arith.constant 0 : i32
    %dma_start3A_35 = arith.constant 0 : i32
    %dma_start3A_36 = tpu.memref_slice %arg2[%dma_start3A_34, %dma_start3A_35] : memref<65536x768xf32, #tpu.memory_space<hbm>> -> memref<65536x768xf32, #tpu.memory_space<hbm>>
    tpu.enqueue_indirect_dma source(%dma_start3A_36 : memref<65536x768xf32, #tpu.memory_space<hbm>>) target(%arg12 : memref<16x768xf32, #tpu.memory_space<vmem>>) offsets(%dma_start3A_33 : memref<16xi32, #tpu.memory_space<vmem>>) semaphore(%arg20 : memref<!tpu.dma_semaphore, #tpu.memory_space<semaphore_mem>>)
    %dma_wait3A = arith.constant 0 : i32
    %dma_wait3A_37 = tpu.memref_slice %arg5[%dma_wait3A] : memref<1024xi32, #tpu.memory_space<vmem>> -> memref<16xi32, #tpu.memory_space<vmem>>
    %dma_wait3A_38 = arith.constant 0 : i32
    %dma_wait3A_39 = arith.constant 0 : i32
    %dma_wait3A_40 = tpu.memref_slice %arg2[%dma_wait3A_38, %dma_wait3A_39] : memref<65536x768xf32, #tpu.memory_space<hbm>> -> memref<65536x768xf32, #tpu.memory_space<hbm>>
    tpu.wait_indirect_dma semaphore(%arg14 : memref<!tpu.dma_semaphore, #tpu.memory_space<semaphore_mem>>) src(%dma_wait3A_40 : memref<65536x768xf32, #tpu.memory_space<hbm>>) dst(%arg6 : memref<16x768xf32, #tpu.memory_space<vmem>>)
    %dma_start3A_41 = arith.constant 112 : i32
    %dma_start3A_42 = tpu.memref_slice %arg5[%dma_start3A_41] : memref<1024xi32, #tpu.memory_space<vmem>> -> memref<16xi32, #tpu.memory_space<vmem>>
    %dma_start3A_43 = arith.constant 0 : i32
    %dma_start3A_44 = arith.constant 0 : i32
    %dma_start3A_45 = tpu.memref_slice %arg2[%dma_start3A_43, %dma_start3A_44] : memref<65536x768xf32, #tpu.memory_space<hbm>> -> memref<65536x768xf32, #tpu.memory_space<hbm>>
    tpu.enqueue_indirect_dma source(%dma_start3A_45 : memref<65536x768xf32, #tpu.memory_space<hbm>>) target(%arg13 : memref<16x768xf32, #tpu.memory_space<vmem>>) offsets(%dma_start3A_42 : memref<16xi32, #tpu.memory_space<vmem>>) semaphore(%arg21 : memref<!tpu.dma_semaphore, #tpu.memory_space<semaphore_mem>>)
    %add3A_46 = arith.constant 0 : i32
    %add3A_47 = arith.addi %mul3A_2, %add3A_46 : i32
    %dma_start3A_48 = arith.constant 0 : i32
    %dma_start3A_49 = tpu.memref_slice %arg4[%add3A_47, %dma_start3A_48] : memref<32768x768xf32, #tpu.memory_space<hbm>> -> memref<16x768xf32, #tpu.memory_space<hbm>>
    %dma_start3A_50 = arith.constant 0 : i32
    %dma_start3A_51 = tpu.memref_slice %arg4[%add3A_47, %dma_start3A_50] : memref<32768x768xf32, #tpu.memory_space<hbm>> -> memref<16x768xf32, #tpu.memory_space<hbm>>
    tpu.enqueue_dma source(%arg6 : memref<16x768xf32, #tpu.memory_space<vmem>>) target(%dma_start3A_51 : memref<16x768xf32, #tpu.memory_space<hbm>>) target_semaphore(%arg22 : memref<!tpu.dma_semaphore, #tpu.memory_space<semaphore_mem>>)
    %dma_wait3A_52 = arith.constant 16 : i32
    %dma_wait3A_53 = tpu.memref_slice %arg5[%dma_wait3A_52] : memref<1024xi32, #tpu.memory_space<vmem>> -> memref<16xi32, #tpu.memory_space<vmem>>
    %dma_wait3A_54 = arith.constant 0 : i32
    %dma_wait3A_55 = arith.constant 0 : i32
    %dma_wait3A_56 = tpu.memref_slice %arg2[%dma_wait3A_54, %dma_wait3A_55] : memref<65536x768xf32, #tpu.memory_space<hbm>> -> memref<65536x768xf32, #tpu.memory_space<hbm>>
    tpu.wait_indirect_dma semaphore(%arg15 : memref<!tpu.dma_semaphore, #tpu.memory_space<semaphore_mem>>) src(%dma_wait3A_56 : memref<65536x768xf32, #tpu.memory_space<hbm>>) dst(%arg7 : memref<16x768xf32, #tpu.memory_space<vmem>>)
    %add3A_57 = arith.constant 0 : i32
    %add3A_58 = arith.addi %mul3A_2, %add3A_57 : i32
    %dma_wait3A_59 = arith.constant 0 : i32
    %dma_wait3A_60 = tpu.memref_slice %arg4[%add3A_58, %dma_wait3A_59] : memref<32768x768xf32, #tpu.memory_space<hbm>> -> memref<16x768xf32, #tpu.memory_space<hbm>>
    %dma_wait3A_61 = arith.constant 0 : i32
    %dma_wait3A_62 = tpu.memref_slice %arg4[%add3A_58, %dma_wait3A_61] : memref<32768x768xf32, #tpu.memory_space<hbm>> -> memref<16x768xf32, #tpu.memory_space<hbm>>
    tpu.wait_dma2 semaphore(%arg22 : memref<!tpu.dma_semaphore, #tpu.memory_space<semaphore_mem>>) src(%arg6 : memref<16x768xf32, #tpu.memory_space<vmem>>) dst(%dma_wait3A_62 : memref<16x768xf32, #tpu.memory_space<hbm>>)
    %dma_start3A_63 = arith.constant 128 : i32
    %dma_start3A_64 = tpu.memref_slice %arg5[%dma_start3A_63] : memref<1024xi32, #tpu.memory_space<vmem>> -> memref<16xi32, #tpu.memory_space<vmem>>
    %dma_start3A_65 = arith.constant 0 : i32
    %dma_start3A_66 = arith.constant 0 : i32
    %dma_start3A_67 = tpu.memref_slice %arg2[%dma_start3A_65, %dma_start3A_66] : memref<65536x768xf32, #tpu.memory_space<hbm>> -> memref<65536x768xf32, #tpu.memory_space<hbm>>
    tpu.enqueue_indirect_dma source(%dma_start3A_67 : memref<65536x768xf32, #tpu.memory_space<hbm>>) target(%arg6 : memref<16x768xf32, #tpu.memory_space<vmem>>) offsets(%dma_start3A_64 : memref<16xi32, #tpu.memory_space<vmem>>) semaphore(%arg14 : memref<!tpu.dma_semaphore, #tpu.memory_space<semaphore_mem>>)
    %add3A_68 = arith.constant 16 : i32
    %add3A_69 = arith.addi %mul3A_2, %add3A_68 : i32
    %dma_start3A_70 = arith.constant 0 : i32
    %dma_start3A_71 = tpu.memref_slice %arg4[%add3A_69, %dma_start3A_70] : memref<32768x768xf32, #tpu.memory_space<hbm>> -> memref<16x768xf32, #tpu.memory_space<hbm>>
    %dma_start3A_72 = arith.constant 0 : i32
    %dma_start3A_73 = tpu.memref_slice %arg4[%add3A_69, %dma_start3A_72] : memref<32768x768xf32, #tpu.memory_space<hbm>> -> memref<16x768xf32, #tpu.memory_space<hbm>>
    tpu.enqueue_dma source(%arg7 : memref<16x768xf32, #tpu.memory_space<vmem>>) target(%dma_start3A_73 : memref<16x768xf32, #tpu.memory_space<hbm>>) target_semaphore(%arg23 : memref<!tpu.dma_semaphore, #tpu.memory_space<semaphore_mem>>)
    %dma_wait3A_74 = arith.constant 32 : i32
    %dma_wait3A_75 = tpu.memref_slice %arg5[%dma_wait3A_74] : memref<1024xi32, #tpu.memory_space<vmem>> -> memref<16xi32, #tpu.memory_space<vmem>>
    %dma_wait3A_76 = arith.constant 0 : i32
    %dma_wait3A_77 = arith.constant 0 : i32
    %dma_wait3A_78 = tpu.memref_slice %arg2[%dma_wait3A_76, %dma_wait3A_77] : memref<65536x768xf32, #tpu.memory_space<hbm>> -> memref<65536x768xf32, #tpu.memory_space<hbm>>
    tpu.wait_indirect_dma semaphore(%arg16 : memref<!tpu.dma_semaphore, #tpu.memory_space<semaphore_mem>>) src(%dma_wait3A_78 : memref<65536x768xf32, #tpu.memory_space<hbm>>) dst(%arg8 : memref<16x768xf32, #tpu.memory_space<vmem>>)
    %add3A_79 = arith.constant 16 : i32
    %add3A_80 = arith.addi %mul3A_2, %add3A_79 : i32
    %dma_wait3A_81 = arith.constant 0 : i32
    %dma_wait3A_82 = tpu.memref_slice %arg4[%add3A_80, %dma_wait3A_81] : memref<32768x768xf32, #tpu.memory_space<hbm>> -> memref<16x768xf32, #tpu.memory_space<hbm>>
    %dma_wait3A_83 = arith.constant 0 : i32
    %dma_wait3A_84 = tpu.memref_slice %arg4[%add3A_80, %dma_wait3A_83] : memref<32768x768xf32, #tpu.memory_space<hbm>> -> memref<16x768xf32, #tpu.memory_space<hbm>>
    tpu.wait_dma2 semaphore(%arg23 : memref<!tpu.dma_semaphore, #tpu.memory_space<semaphore_mem>>) src(%arg7 : memref<16x768xf32, #tpu.memory_space<vmem>>) dst(%dma_wait3A_84 : memref<16x768xf32, #tpu.memory_space<hbm>>)
    %dma_start3A_85 = arith.constant 144 : i32
    %dma_start3A_86 = tpu.memref_slice %arg5[%dma_start3A_85] : memref<1024xi32, #tpu.memory_space<vmem>> -> memref<16xi32, #tpu.memory_space<vmem>>
    %dma_start3A_87 = arith.constant 0 : i32
    %dma_start3A_88 = arith.constant 0 : i32
    %dma_start3A_89 = tpu.memref_slice %arg2[%dma_start3A_87, %dma_start3A_88] : memref<65536x768xf32, #tpu.memory_space<hbm>> -> memref<65536x768xf32, #tpu.memory_space<hbm>>
    tpu.enqueue_indirect_dma source(%dma_start3A_89 : memref<65536x768xf32, #tpu.memory_space<hbm>>) target(%arg7 : memref<16x768xf32, #tpu.memory_space<vmem>>) offsets(%dma_start3A_86 : memref<16xi32, #tpu.memory_space<vmem>>) semaphore(%arg15 : memref<!tpu.dma_semaphore, #tpu.memory_space<semaphore_mem>>)
    %add3A_90 = arith.constant 32 : i32
    %add3A_91 = arith.addi %mul3A_2, %add3A_90 : i32
    %dma_start3A_92 = arith.constant 0 : i32
    %dma_start3A_93 = tpu.memref_slice %arg4[%add3A_91, %dma_start3A_92] : memref<32768x768xf32, #tpu.memory_space<hbm>> -> memref<16x768xf32, #tpu.memory_space<hbm>>
    %dma_start3A_94 = arith.constant 0 : i32
    %dma_start3A_95 = tpu.memref_slice %arg4[%add3A_91, %dma_start3A_94] : memref<32768x768xf32, #tpu.memory_space<hbm>> -> memref<16x768xf32, #tpu.memory_space<hbm>>
    tpu.enqueue_dma source(%arg8 : memref<16x768xf32, #tpu.memory_space<vmem>>) target(%dma_start3A_95 : memref<16x768xf32, #tpu.memory_space<hbm>>) target_semaphore(%arg24 : memref<!tpu.dma_semaphore, #tpu.memory_space<semaphore_mem>>)
    %dma_wait3A_96 = arith.constant 48 : i32
    %dma_wait3A_97 = tpu.memref_slice %arg5[%dma_wait3A_96] : memref<1024xi32, #tpu.memory_space<vmem>> -> memref<16xi32, #tpu.memory_space<vmem>>
    %dma_wait3A_98 = arith.constant 0 : i32
    %dma_wait3A_99 = arith.constant 0 : i32
    %dma_wait3A_100 = tpu.memref_slice %arg2[%dma_wait3A_98, %dma_wait3A_99] : memref<65536x768xf32, #tpu.memory_space<hbm>> -> memref<65536x768xf32, #tpu.memory_space<hbm>>
    tpu.wait_indirect_dma semaphore(%arg17 : memref<!tpu.dma_semaphore, #tpu.memory_space<semaphore_mem>>) src(%dma_wait3A_100 : memref<65536x768xf32, #tpu.memory_space<hbm>>) dst(%arg9 : memref<16x768xf32, #tpu.memory_space<vmem>>)
    %add3A_101 = arith.constant 32 : i32
    %add3A_102 = arith.addi %mul3A_2, %add3A_101 : i32
    %dma_wait3A_103 = arith.constant 0 : i32
    %dma_wait3A_104 = tpu.memref_slice %arg4[%add3A_102, %dma_wait3A_103] : memref<32768x768xf32, #tpu.memory_space<hbm>> -> memref<16x768xf32, #tpu.memory_space<hbm>>
    %dma_wait3A_105 = arith.constant 0 : i32
    %dma_wait3A_106 = tpu.memref_slice %arg4[%add3A_102, %dma_wait3A_105] : memref<32768x768xf32, #tpu.memory_space<hbm>> -> memref<16x768xf32, #tpu.memory_space<hbm>>
    tpu.wait_dma2 semaphore(%arg24 : memref<!tpu.dma_semaphore, #tpu.memory_space<semaphore_mem>>) src(%arg8 : memref<16x768xf32, #tpu.memory_space<vmem>>) dst(%dma_wait3A_106 : memref<16x768xf32, #tpu.memory_space<hbm>>)
    %dma_start3A_107 = arith.constant 160 : i32
    %dma_start3A_108 = tpu.memref_slice %arg5[%dma_start3A_107] : memref<1024xi32, #tpu.memory_space<vmem>> -> memref<16xi32, #tpu.memory_space<vmem>>
    %dma_start3A_109 = arith.constant 0 : i32
    %dma_start3A_110 = arith.constant 0 : i32
    %dma_start3A_111 = tpu.memref_slice %arg2[%dma_start3A_109, %dma_start3A_110] : memref<65536x768xf32, #tpu.memory_space<hbm>> -> memref<65536x768xf32, #tpu.memory_space<hbm>>
    tpu.enqueue_indirect_dma source(%dma_start3A_111 : memref<65536x768xf32, #tpu.memory_space<hbm>>) target(%arg8 : memref<16x768xf32, #tpu.memory_space<vmem>>) offsets(%dma_start3A_108 : memref<16xi32, #tpu.memory_space<vmem>>) semaphore(%arg16 : memref<!tpu.dma_semaphore, #tpu.memory_space<semaphore_mem>>)
    %add3A_112 = arith.constant 48 : i32
    %add3A_113 = arith.addi %mul3A_2, %add3A_112 : i32
    %dma_start3A_114 = arith.constant 0 : i32
    %dma_start3A_115 = tpu.memref_slice %arg4[%add3A_113, %dma_start3A_114] : memref<32768x768xf32, #tpu.memory_space<hbm>> -> memref<16x768xf32, #tpu.memory_space<hbm>>
    %dma_start3A_116 = arith.constant 0 : i32
    %dma_start3A_117 = tpu.memref_slice %arg4[%add3A_113, %dma_start3A_116] : memref<32768x768xf32, #tpu.memory_space<hbm>> -> memref<16x768xf32, #tpu.memory_space<hbm>>
    tpu.enqueue_dma source(%arg9 : memref<16x768xf32, #tpu.memory_space<vmem>>) target(%dma_start3A_117 : memref<16x768xf32, #tpu.memory_space<hbm>>) target_semaphore(%arg25 : memref<!tpu.dma_semaphore, #tpu.memory_space<semaphore_mem>>)
    %dma_wait3A_118 = arith.constant 64 : i32
    %dma_wait3A_119 = tpu.memref_slice %arg5[%dma_wait3A_118] : memref<1024xi32, #tpu.memory_space<vmem>> -> memref<16xi32, #tpu.memory_space<vmem>>
    %dma_wait3A_120 = arith.constant 0 : i32
    %dma_wait3A_121 = arith.constant 0 : i32
    %dma_wait3A_122 = tpu.memref_slice %arg2[%dma_wait3A_120, %dma_wait3A_121] : memref<65536x768xf32, #tpu.memory_space<hbm>> -> memref<65536x768xf32, #tpu.memory_space<hbm>>
    tpu.wait_indirect_dma semaphore(%arg18 : memref<!tpu.dma_semaphore, #tpu.memory_space<semaphore_mem>>) src(%dma_wait3A_122 : memref<65536x768xf32, #tpu.memory_space<hbm>>) dst(%arg10 : memref<16x768xf32, #tpu.memory_space<vmem>>)
    %add3A_123 = arith.constant 48 : i32
    %add3A_124 = arith.addi %mul3A_2, %add3A_123 : i32
    %dma_wait3A_125 = arith.constant 0 : i32
    %dma_wait3A_126 = tpu.memref_slice %arg4[%add3A_124, %dma_wait3A_125] : memref<32768x768xf32, #tpu.memory_space<hbm>> -> memref<16x768xf32, #tpu.memory_space<hbm>>
    %dma_wait3A_127 = arith.constant 0 : i32
    %dma_wait3A_128 = tpu.memref_slice %arg4[%add3A_124, %dma_wait3A_127] : memref<32768x768xf32, #tpu.memory_space<hbm>> -> memref<16x768xf32, #tpu.memory_space<hbm>>
    tpu.wait_dma2 semaphore(%arg25 : memref<!tpu.dma_semaphore, #tpu.memory_space<semaphore_mem>>) src(%arg9 : memref<16x768xf32, #tpu.memory_space<vmem>>) dst(%dma_wait3A_128 : memref<16x768xf32, #tpu.memory_space<hbm>>)
    %dma_start3A_129 = arith.constant 176 : i32
    %dma_start3A_130 = tpu.memref_slice %arg5[%dma_start3A_129] : memref<1024xi32, #tpu.memory_space<vmem>> -> memref<16xi32, #tpu.memory_space<vmem>>
    %dma_start3A_131 = arith.constant 0 : i32
    %dma_start3A_132 = arith.constant 0 : i32
    %dma_start3A_133 = tpu.memref_slice %arg2[%dma_start3A_131, %dma_start3A_132] : memref<65536x768xf32, #tpu.memory_space<hbm>> -> memref<65536x768xf32, #tpu.memory_space<hbm>>
    tpu.enqueue_indirect_dma source(%dma_start3A_133 : memref<65536x768xf32, #tpu.memory_space<hbm>>) target(%arg9 : memref<16x768xf32, #tpu.memory_space<vmem>>) offsets(%dma_start3A_130 : memref<16xi32, #tpu.memory_space<vmem>>) semaphore(%arg17 : memref<!tpu.dma_semaphore, #tpu.memory_space<semaphore_mem>>)
    %add3A_134 = arith.constant 64 : i32
    %add3A_135 = arith.addi %mul3A_2, %add3A_134 : i32
    %dma_start3A_136 = arith.constant 0 : i32
    %dma_start3A_137 = tpu.memref_slice %arg4[%add3A_135, %dma_start3A_136] : memref<32768x768xf32, #tpu.memory_space<hbm>> -> memref<16x768xf32, #tpu.memory_space<hbm>>
    %dma_start3A_138 = arith.constant 0 : i32
    %dma_start3A_139 = tpu.memref_slice %arg4[%add3A_135, %dma_start3A_138] : memref<32768x768xf32, #tpu.memory_space<hbm>> -> memref<16x768xf32, #tpu.memory_space<hbm>>
    tpu.enqueue_dma source(%arg10 : memref<16x768xf32, #tpu.memory_space<vmem>>) target(%dma_start3A_139 : memref<16x768xf32, #tpu.memory_space<hbm>>) target_semaphore(%arg26 : memref<!tpu.dma_semaphore, #tpu.memory_space<semaphore_mem>>)
    %dma_wait3A_140 = arith.constant 80 : i32
    %dma_wait3A_141 = tpu.memref_slice %arg5[%dma_wait3A_140] : memref<1024xi32, #tpu.memory_space<vmem>> -> memref<16xi32, #tpu.memory_space<vmem>>
    %dma_wait3A_142 = arith.constant 0 : i32
    %dma_wait3A_143 = arith.constant 0 : i32
    %dma_wait3A_144 = tpu.memref_slice %arg2[%dma_wait3A_142, %dma_wait3A_143] : memref<65536x768xf32, #tpu.memory_space<hbm>> -> memref<65536x768xf32, #tpu.memory_space<hbm>>
    tpu.wait_indirect_dma semaphore(%arg19 : memref<!tpu.dma_semaphore, #tpu.memory_space<semaphore_mem>>) src(%dma_wait3A_144 : memref<65536x768xf32, #tpu.memory_space<hbm>>) dst(%arg11 : memref<16x768xf32, #tpu.memory_space<vmem>>)
    %add3A_145 = arith.constant 64 : i32
    %add3A_146 = arith.addi %mul3A_2, %add3A_145 : i32
    %dma_wait3A_147 = arith.constant 0 : i32
    %dma_wait3A_148 = tpu.memref_slice %arg4[%add3A_146, %dma_wait3A_147] : memref<32768x768xf32, #tpu.memory_space<hbm>> -> memref<16x768xf32, #tpu.memory_space<hbm>>
    %dma_wait3A_149 = arith.constant 0 : i32
    %dma_wait3A_150 = tpu.memref_slice %arg4[%add3A_146, %dma_wait3A_149] : memref<32768x768xf32, #tpu.memory_space<hbm>> -> memref<16x768xf32, #tpu.memory_space<hbm>>
    tpu.wait_dma2 semaphore(%arg26 : memref<!tpu.dma_semaphore, #tpu.memory_space<semaphore_mem>>) src(%arg10 : memref<16x768xf32, #tpu.memory_space<vmem>>) dst(%dma_wait3A_150 : memref<16x768xf32, #tpu.memory_space<hbm>>)
    %dma_start3A_151 = arith.constant 192 : i32
    %dma_start3A_152 = tpu.memref_slice %arg5[%dma_start3A_151] : memref<1024xi32, #tpu.memory_space<vmem>> -> memref<16xi32, #tpu.memory_space<vmem>>
    %dma_start3A_153 = arith.constant 0 : i32
    %dma_start3A_154 = arith.constant 0 : i32
    %dma_start3A_155 = tpu.memref_slice %arg2[%dma_start3A_153, %dma_start3A_154] : memref<65536x768xf32, #tpu.memory_space<hbm>> -> memref<65536x768xf32, #tpu.memory_space<hbm>>
    tpu.enqueue_indirect_dma source(%dma_start3A_155 : memref<65536x768xf32, #tpu.memory_space<hbm>>) target(%arg10 : memref<16x768xf32, #tpu.memory_space<vmem>>) offsets(%dma_start3A_152 : memref<16xi32, #tpu.memory_space<vmem>>) semaphore(%arg18 : memref<!tpu.dma_semaphore, #tpu.memory_space<semaphore_mem>>)
    %add3A_156 = arith.constant 80 : i32
    %add3A_157 = arith.addi %mul3A_2, %add3A_156 : i32
    %dma_start3A_158 = arith.constant 0 : i32
    %dma_start3A_159 = tpu.memref_slice %arg4[%add3A_157, %dma_start3A_158] : memref<32768x768xf32, #tpu.memory_space<hbm>> -> memref<16x768xf32, #tpu.memory_space<hbm>>
    %dma_start3A_160 = arith.constant 0 : i32
    %dma_start3A_161 = tpu.memref_slice %arg4[%add3A_157, %dma_start3A_160] : memref<32768x768xf32, #tpu.memory_space<hbm>> -> memref<16x768xf32, #tpu.memory_space<hbm>>
    tpu.enqueue_dma source(%arg11 : memref<16x768xf32, #tpu.memory_space<vmem>>) target(%dma_start3A_161 : memref<16x768xf32, #tpu.memory_space<hbm>>) target_semaphore(%arg27 : memref<!tpu.dma_semaphore, #tpu.memory_space<semaphore_mem>>)
    %dma_wait3A_162 = arith.constant 96 : i32
    %dma_wait3A_163 = tpu.memref_slice %arg5[%dma_wait3A_162] : memref<1024xi32, #tpu.memory_space<vmem>> -> memref<16xi32, #tpu.memory_space<vmem>>
    %dma_wait3A_164 = arith.constant 0 : i32
    %dma_wait3A_165 = arith.constant 0 : i32
    %dma_wait3A_166 = tpu.memref_slice %arg2[%dma_wait3A_164, %dma_wait3A_165] : memref<65536x768xf32, #tpu.memory_space<hbm>> -> memref<65536x768xf32, #tpu.memory_space<hbm>>
    tpu.wait_indirect_dma semaphore(%arg20 : memref<!tpu.dma_semaphore, #tpu.memory_space<semaphore_mem>>) src(%dma_wait3A_166 : memref<65536x768xf32, #tpu.memory_space<hbm>>) dst(%arg12 : memref<16x768xf32, #tpu.memory_space<vmem>>)
    %add3A_167 = arith.constant 80 : i32
    %add3A_168 = arith.addi %mul3A_2, %add3A_167 : i32
    %dma_wait3A_169 = arith.constant 0 : i32
    %dma_wait3A_170 = tpu.memref_slice %arg4[%add3A_168, %dma_wait3A_169] : memref<32768x768xf32, #tpu.memory_space<hbm>> -> memref<16x768xf32, #tpu.memory_space<hbm>>
    %dma_wait3A_171 = arith.constant 0 : i32
    %dma_wait3A_172 = tpu.memref_slice %arg4[%add3A_168, %dma_wait3A_171] : memref<32768x768xf32, #tpu.memory_space<hbm>> -> memref<16x768xf32, #tpu.memory_space<hbm>>
    tpu.wait_dma2 semaphore(%arg27 : memref<!tpu.dma_semaphore, #tpu.memory_space<semaphore_mem>>) src(%arg11 : memref<16x768xf32, #tpu.memory_space<vmem>>) dst(%dma_wait3A_172 : memref<16x768xf32, #tpu.memory_space<hbm>>)
    %dma_start3A_173 = arith.constant 208 : i32
    %dma_start3A_174 = tpu.memref_slice %arg5[%dma_start3A_173] : memref<1024xi32, #tpu.memory_space<vmem>> -> memref<16xi32, #tpu.memory_space<vmem>>
    %dma_start3A_175 = arith.constant 0 : i32
    %dma_start3A_176 = arith.constant 0 : i32
    %dma_start3A_177 = tpu.memref_slice %arg2[%dma_start3A_175, %dma_start3A_176] : memref<65536x768xf32, #tpu.memory_space<hbm>> -> memref<65536x768xf32, #tpu.memory_space<hbm>>
    tpu.enqueue_indirect_dma source(%dma_start3A_177 : memref<65536x768xf32, #tpu.memory_space<hbm>>) target(%arg11 : memref<16x768xf32, #tpu.memory_space<vmem>>) offsets(%dma_start3A_174 : memref<16xi32, #tpu.memory_space<vmem>>) semaphore(%arg19 : memref<!tpu.dma_semaphore, #tpu.memory_space<semaphore_mem>>)
    %add3A_178 = arith.constant 96 : i32
    %add3A_179 = arith.addi %mul3A_2, %add3A_178 : i32
    %dma_start3A_180 = arith.constant 0 : i32
    %dma_start3A_181 = tpu.memref_slice %arg4[%add3A_179, %dma_start3A_180] : memref<32768x768xf32, #tpu.memory_space<hbm>> -> memref<16x768xf32, #tpu.memory_space<hbm>>
    %dma_start3A_182 = arith.constant 0 : i32
    %dma_start3A_183 = tpu.memref_slice %arg4[%add3A_179, %dma_start3A_182] : memref<32768x768xf32, #tpu.memory_space<hbm>> -> memref<16x768xf32, #tpu.memory_space<hbm>>
    tpu.enqueue_dma source(%arg12 : memref<16x768xf32, #tpu.memory_space<vmem>>) target(%dma_start3A_183 : memref<16x768xf32, #tpu.memory_space<hbm>>) target_semaphore(%arg28 : memref<!tpu.dma_semaphore, #tpu.memory_space<semaphore_mem>>)
    %dma_wait3A_184 = arith.constant 112 : i32
    %dma_wait3A_185 = tpu.memref_slice %arg5[%dma_wait3A_184] : memref<1024xi32, #tpu.memory_space<vmem>> -> memref<16xi32, #tpu.memory_space<vmem>>
    %dma_wait3A_186 = arith.constant 0 : i32
    %dma_wait3A_187 = arith.constant 0 : i32
    %dma_wait3A_188 = tpu.memref_slice %arg2[%dma_wait3A_186, %dma_wait3A_187] : memref<65536x768xf32, #tpu.memory_space<hbm>> -> memref<65536x768xf32, #tpu.memory_space<hbm>>
    tpu.wait_indirect_dma semaphore(%arg21 : memref<!tpu.dma_semaphore, #tpu.memory_space<semaphore_mem>>) src(%dma_wait3A_188 : memref<65536x768xf32, #tpu.memory_space<hbm>>) dst(%arg13 : memref<16x768xf32, #tpu.memory_space<vmem>>)
    %add3A_189 = arith.constant 96 : i32
    %add3A_190 = arith.addi %mul3A_2, %add3A_189 : i32
    %dma_wait3A_191 = arith.constant 0 : i32
    %dma_wait3A_192 = tpu.memref_slice %arg4[%add3A_190, %dma_wait3A_191] : memref<32768x768xf32, #tpu.memory_space<hbm>> -> memref<16x768xf32, #tpu.memory_space<hbm>>
    %dma_wait3A_193 = arith.constant 0 : i32
    %dma_wait3A_194 = tpu.memref_slice %arg4[%add3A_190, %dma_wait3A_193] : memref<32768x768xf32, #tpu.memory_space<hbm>> -> memref<16x768xf32, #tpu.memory_space<hbm>>
    tpu.wait_dma2 semaphore(%arg28 : memref<!tpu.dma_semaphore, #tpu.memory_space<semaphore_mem>>) src(%arg12 : memref<16x768xf32, #tpu.memory_space<vmem>>) dst(%dma_wait3A_194 : memref<16x768xf32, #tpu.memory_space<hbm>>)
    %dma_start3A_195 = arith.constant 224 : i32
    %dma_start3A_196 = tpu.memref_slice %arg5[%dma_start3A_195] : memref<1024xi32, #tpu.memory_space<vmem>> -> memref<16xi32, #tpu.memory_space<vmem>>
    %dma_start3A_197 = arith.constant 0 : i32
    %dma_start3A_198 = arith.constant 0 : i32
    %dma_start3A_199 = tpu.memref_slice %arg2[%dma_start3A_197, %dma_start3A_198] : memref<65536x768xf32, #tpu.memory_space<hbm>> -> memref<65536x768xf32, #tpu.memory_space<hbm>>
    tpu.enqueue_indirect_dma source(%dma_start3A_199 : memref<65536x768xf32, #tpu.memory_space<hbm>>) target(%arg12 : memref<16x768xf32, #tpu.memory_space<vmem>>) offsets(%dma_start3A_196 : memref<16xi32, #tpu.memory_space<vmem>>) semaphore(%arg20 : memref<!tpu.dma_semaphore, #tpu.memory_space<semaphore_mem>>)
    %add3A_200 = arith.constant 112 : i32
    %add3A_201 = arith.addi %mul3A_2, %add3A_200 : i32
    %dma_start3A_202 = arith.constant 0 : i32
    %dma_start3A_203 = tpu.memref_slice %arg4[%add3A_201, %dma_start3A_202] : memref<32768x768xf32, #tpu.memory_space<hbm>> -> memref<16x768xf32, #tpu.memory_space<hbm>>
    %dma_start3A_204 = arith.constant 0 : i32
    %dma_start3A_205 = tpu.memref_slice %arg4[%add3A_201, %dma_start3A_204] : memref<32768x768xf32, #tpu.memory_space<hbm>> -> memref<16x768xf32, #tpu.memory_space<hbm>>
    tpu.enqueue_dma source(%arg13 : memref<16x768xf32, #tpu.memory_space<vmem>>) target(%dma_start3A_205 : memref<16x768xf32, #tpu.memory_space<hbm>>) target_semaphore(%arg29 : memref<!tpu.dma_semaphore, #tpu.memory_space<semaphore_mem>>)
    %scan3A = arith.constant 0 : i32
    %scan3A_206 = arith.constant 1 : i32
    %scan3A_207 = arith.constant 6 : i32
    %scan3A_208 = arith.addi %scan3A_206, %scan3A_207 : i32
    %scan3A_209 = arith.constant 1 : i32
    scf.for %scan3A_358 = %scan3A_206 to %scan3A_208 step %scan3A_209  : i32 {
      %mul3A_359 = arith.constant 8 : i32
      %mul3A_360 = arith.muli %scan3A_358, %mul3A_359 : i32
      %add3A_361 = arith.constant 0 : i32
      %add3A_362 = arith.addi %mul3A_360, %add3A_361 : i32
      %mul3A_363 = arith.constant 16 : i32
      %mul3A_364 = arith.muli %add3A_362, %mul3A_363 : i32
      %dma_wait3A_365 = tpu.memref_slice %arg5[%mul3A_364] : memref<1024xi32, #tpu.memory_space<vmem>> -> memref<16xi32, #tpu.memory_space<vmem>>
      %dma_wait3A_366 = arith.constant 0 : i32
      %dma_wait3A_367 = arith.constant 0 : i32
      %dma_wait3A_368 = tpu.memref_slice %arg2[%dma_wait3A_366, %dma_wait3A_367] : memref<65536x768xf32, #tpu.memory_space<hbm>> -> memref<65536x768xf32, #tpu.memory_space<hbm>>
      tpu.wait_indirect_dma semaphore(%arg14 : memref<!tpu.dma_semaphore, #tpu.memory_space<semaphore_mem>>) src(%dma_wait3A_368 : memref<65536x768xf32, #tpu.memory_space<hbm>>) dst(%arg6 : memref<16x768xf32, #tpu.memory_space<vmem>>)
      %sub3A = arith.constant 1 : i32
      %sub3A_369 = arith.subi %add3A_362, %sub3A : i32
      %mul3A_370 = arith.constant 16 : i32
      %mul3A_371 = arith.muli %sub3A_369, %mul3A_370 : i32
      %add3A_372 = arith.addi %mul3A_2, %mul3A_371 : i32
      %dma_wait3A_373 = arith.constant 0 : i32
      %dma_wait3A_374 = tpu.memref_slice %arg4[%add3A_372, %dma_wait3A_373] : memref<32768x768xf32, #tpu.memory_space<hbm>> -> memref<16x768xf32, #tpu.memory_space<hbm>>
      %dma_wait3A_375 = arith.constant 0 : i32
      %dma_wait3A_376 = tpu.memref_slice %arg4[%add3A_372, %dma_wait3A_375] : memref<32768x768xf32, #tpu.memory_space<hbm>> -> memref<16x768xf32, #tpu.memory_space<hbm>>
      tpu.wait_dma2 semaphore(%arg29 : memref<!tpu.dma_semaphore, #tpu.memory_space<semaphore_mem>>) src(%arg13 : memref<16x768xf32, #tpu.memory_space<vmem>>) dst(%dma_wait3A_376 : memref<16x768xf32, #tpu.memory_space<hbm>>)
      %add3A_377 = arith.constant 8 : i32
      %add3A_378 = arith.addi %add3A_362, %add3A_377 : i32
      %sub3A_379 = arith.constant 1 : i32
      %sub3A_380 = arith.subi %add3A_378, %sub3A_379 : i32
      %mul3A_381 = arith.constant 16 : i32
      %mul3A_382 = arith.muli %sub3A_380, %mul3A_381 : i32
      %dma_start3A_383 = tpu.memref_slice %arg5[%mul3A_382] : memref<1024xi32, #tpu.memory_space<vmem>> -> memref<16xi32, #tpu.memory_space<vmem>>
      %dma_start3A_384 = arith.constant 0 : i32
      %dma_start3A_385 = arith.constant 0 : i32
      %dma_start3A_386 = tpu.memref_slice %arg2[%dma_start3A_384, %dma_start3A_385] : memref<65536x768xf32, #tpu.memory_space<hbm>> -> memref<65536x768xf32, #tpu.memory_space<hbm>>
      tpu.enqueue_indirect_dma source(%dma_start3A_386 : memref<65536x768xf32, #tpu.memory_space<hbm>>) target(%arg13 : memref<16x768xf32, #tpu.memory_space<vmem>>) offsets(%dma_start3A_383 : memref<16xi32, #tpu.memory_space<vmem>>) semaphore(%arg21 : memref<!tpu.dma_semaphore, #tpu.memory_space<semaphore_mem>>)
      %mul3A_387 = arith.constant 16 : i32
      %mul3A_388 = arith.muli %add3A_362, %mul3A_387 : i32
      %add3A_389 = arith.addi %mul3A_2, %mul3A_388 : i32
      %dma_start3A_390 = arith.constant 0 : i32
      %dma_start3A_391 = tpu.memref_slice %arg4[%add3A_389, %dma_start3A_390] : memref<32768x768xf32, #tpu.memory_space<hbm>> -> memref<16x768xf32, #tpu.memory_space<hbm>>
      %dma_start3A_392 = arith.constant 0 : i32
      %dma_start3A_393 = tpu.memref_slice %arg4[%add3A_389, %dma_start3A_392] : memref<32768x768xf32, #tpu.memory_space<hbm>> -> memref<16x768xf32, #tpu.memory_space<hbm>>
      tpu.enqueue_dma source(%arg6 : memref<16x768xf32, #tpu.memory_space<vmem>>) target(%dma_start3A_393 : memref<16x768xf32, #tpu.memory_space<hbm>>) target_semaphore(%arg22 : memref<!tpu.dma_semaphore, #tpu.memory_space<semaphore_mem>>)
      %add3A_394 = arith.constant 1 : i32
      %add3A_395 = arith.addi %mul3A_360, %add3A_394 : i32
      %mul3A_396 = arith.constant 16 : i32
      %mul3A_397 = arith.muli %add3A_395, %mul3A_396 : i32
      %dma_wait3A_398 = tpu.memref_slice %arg5[%mul3A_397] : memref<1024xi32, #tpu.memory_space<vmem>> -> memref<16xi32, #tpu.memory_space<vmem>>
      %dma_wait3A_399 = arith.constant 0 : i32
      %dma_wait3A_400 = arith.constant 0 : i32
      %dma_wait3A_401 = tpu.memref_slice %arg2[%dma_wait3A_399, %dma_wait3A_400] : memref<65536x768xf32, #tpu.memory_space<hbm>> -> memref<65536x768xf32, #tpu.memory_space<hbm>>
      tpu.wait_indirect_dma semaphore(%arg15 : memref<!tpu.dma_semaphore, #tpu.memory_space<semaphore_mem>>) src(%dma_wait3A_401 : memref<65536x768xf32, #tpu.memory_space<hbm>>) dst(%arg7 : memref<16x768xf32, #tpu.memory_space<vmem>>)
      %sub3A_402 = arith.constant 1 : i32
      %sub3A_403 = arith.subi %add3A_395, %sub3A_402 : i32
      %mul3A_404 = arith.constant 16 : i32
      %mul3A_405 = arith.muli %sub3A_403, %mul3A_404 : i32
      %add3A_406 = arith.addi %mul3A_2, %mul3A_405 : i32
      %dma_wait3A_407 = arith.constant 0 : i32
      %dma_wait3A_408 = tpu.memref_slice %arg4[%add3A_406, %dma_wait3A_407] : memref<32768x768xf32, #tpu.memory_space<hbm>> -> memref<16x768xf32, #tpu.memory_space<hbm>>
      %dma_wait3A_409 = arith.constant 0 : i32
      %dma_wait3A_410 = tpu.memref_slice %arg4[%add3A_406, %dma_wait3A_409] : memref<32768x768xf32, #tpu.memory_space<hbm>> -> memref<16x768xf32, #tpu.memory_space<hbm>>
      tpu.wait_dma2 semaphore(%arg22 : memref<!tpu.dma_semaphore, #tpu.memory_space<semaphore_mem>>) src(%arg6 : memref<16x768xf32, #tpu.memory_space<vmem>>) dst(%dma_wait3A_410 : memref<16x768xf32, #tpu.memory_space<hbm>>)
      %add3A_411 = arith.constant 8 : i32
      %add3A_412 = arith.addi %add3A_395, %add3A_411 : i32
      %sub3A_413 = arith.constant 1 : i32
      %sub3A_414 = arith.subi %add3A_412, %sub3A_413 : i32
      %mul3A_415 = arith.constant 16 : i32
      %mul3A_416 = arith.muli %sub3A_414, %mul3A_415 : i32
      %dma_start3A_417 = tpu.memref_slice %arg5[%mul3A_416] : memref<1024xi32, #tpu.memory_space<vmem>> -> memref<16xi32, #tpu.memory_space<vmem>>
      %dma_start3A_418 = arith.constant 0 : i32
      %dma_start3A_419 = arith.constant 0 : i32
      %dma_start3A_420 = tpu.memref_slice %arg2[%dma_start3A_418, %dma_start3A_419] : memref<65536x768xf32, #tpu.memory_space<hbm>> -> memref<65536x768xf32, #tpu.memory_space<hbm>>
      tpu.enqueue_indirect_dma source(%dma_start3A_420 : memref<65536x768xf32, #tpu.memory_space<hbm>>) target(%arg6 : memref<16x768xf32, #tpu.memory_space<vmem>>) offsets(%dma_start3A_417 : memref<16xi32, #tpu.memory_space<vmem>>) semaphore(%arg14 : memref<!tpu.dma_semaphore, #tpu.memory_space<semaphore_mem>>)
      %mul3A_421 = arith.constant 16 : i32
      %mul3A_422 = arith.muli %add3A_395, %mul3A_421 : i32
      %add3A_423 = arith.addi %mul3A_2, %mul3A_422 : i32
      %dma_start3A_424 = arith.constant 0 : i32
      %dma_start3A_425 = tpu.memref_slice %arg4[%add3A_423, %dma_start3A_424] : memref<32768x768xf32, #tpu.memory_space<hbm>> -> memref<16x768xf32, #tpu.memory_space<hbm>>
      %dma_start3A_426 = arith.constant 0 : i32
      %dma_start3A_427 = tpu.memref_slice %arg4[%add3A_423, %dma_start3A_426] : memref<32768x768xf32, #tpu.memory_space<hbm>> -> memref<16x768xf32, #tpu.memory_space<hbm>>
      tpu.enqueue_dma source(%arg7 : memref<16x768xf32, #tpu.memory_space<vmem>>) target(%dma_start3A_427 : memref<16x768xf32, #tpu.memory_space<hbm>>) target_semaphore(%arg23 : memref<!tpu.dma_semaphore, #tpu.memory_space<semaphore_mem>>)
      %add3A_428 = arith.constant 2 : i32
      %add3A_429 = arith.addi %mul3A_360, %add3A_428 : i32
      %mul3A_430 = arith.constant 16 : i32
      %mul3A_431 = arith.muli %add3A_429, %mul3A_430 : i32
      %dma_wait3A_432 = tpu.memref_slice %arg5[%mul3A_431] : memref<1024xi32, #tpu.memory_space<vmem>> -> memref<16xi32, #tpu.memory_space<vmem>>
      %dma_wait3A_433 = arith.constant 0 : i32
      %dma_wait3A_434 = arith.constant 0 : i32
      %dma_wait3A_435 = tpu.memref_slice %arg2[%dma_wait3A_433, %dma_wait3A_434] : memref<65536x768xf32, #tpu.memory_space<hbm>> -> memref<65536x768xf32, #tpu.memory_space<hbm>>
      tpu.wait_indirect_dma semaphore(%arg16 : memref<!tpu.dma_semaphore, #tpu.memory_space<semaphore_mem>>) src(%dma_wait3A_435 : memref<65536x768xf32, #tpu.memory_space<hbm>>) dst(%arg8 : memref<16x768xf32, #tpu.memory_space<vmem>>)
      %sub3A_436 = arith.constant 1 : i32
      %sub3A_437 = arith.subi %add3A_429, %sub3A_436 : i32
      %mul3A_438 = arith.constant 16 : i32
      %mul3A_439 = arith.muli %sub3A_437, %mul3A_438 : i32
      %add3A_440 = arith.addi %mul3A_2, %mul3A_439 : i32
      %dma_wait3A_441 = arith.constant 0 : i32
      %dma_wait3A_442 = tpu.memref_slice %arg4[%add3A_440, %dma_wait3A_441] : memref<32768x768xf32, #tpu.memory_space<hbm>> -> memref<16x768xf32, #tpu.memory_space<hbm>>
      %dma_wait3A_443 = arith.constant 0 : i32
      %dma_wait3A_444 = tpu.memref_slice %arg4[%add3A_440, %dma_wait3A_443] : memref<32768x768xf32, #tpu.memory_space<hbm>> -> memref<16x768xf32, #tpu.memory_space<hbm>>
      tpu.wait_dma2 semaphore(%arg23 : memref<!tpu.dma_semaphore, #tpu.memory_space<semaphore_mem>>) src(%arg7 : memref<16x768xf32, #tpu.memory_space<vmem>>) dst(%dma_wait3A_444 : memref<16x768xf32, #tpu.memory_space<hbm>>)
      %add3A_445 = arith.constant 8 : i32
      %add3A_446 = arith.addi %add3A_429, %add3A_445 : i32
      %sub3A_447 = arith.constant 1 : i32
      %sub3A_448 = arith.subi %add3A_446, %sub3A_447 : i32
      %mul3A_449 = arith.constant 16 : i32
      %mul3A_450 = arith.muli %sub3A_448, %mul3A_449 : i32
      %dma_start3A_451 = tpu.memref_slice %arg5[%mul3A_450] : memref<1024xi32, #tpu.memory_space<vmem>> -> memref<16xi32, #tpu.memory_space<vmem>>
      %dma_start3A_452 = arith.constant 0 : i32
      %dma_start3A_453 = arith.constant 0 : i32
      %dma_start3A_454 = tpu.memref_slice %arg2[%dma_start3A_452, %dma_start3A_453] : memref<65536x768xf32, #tpu.memory_space<hbm>> -> memref<65536x768xf32, #tpu.memory_space<hbm>>
      tpu.enqueue_indirect_dma source(%dma_start3A_454 : memref<65536x768xf32, #tpu.memory_space<hbm>>) target(%arg7 : memref<16x768xf32, #tpu.memory_space<vmem>>) offsets(%dma_start3A_451 : memref<16xi32, #tpu.memory_space<vmem>>) semaphore(%arg15 : memref<!tpu.dma_semaphore, #tpu.memory_space<semaphore_mem>>)
      %mul3A_455 = arith.constant 16 : i32
      %mul3A_456 = arith.muli %add3A_429, %mul3A_455 : i32
      %add3A_457 = arith.addi %mul3A_2, %mul3A_456 : i32
      %dma_start3A_458 = arith.constant 0 : i32
      %dma_start3A_459 = tpu.memref_slice %arg4[%add3A_457, %dma_start3A_458] : memref<32768x768xf32, #tpu.memory_space<hbm>> -> memref<16x768xf32, #tpu.memory_space<hbm>>
      %dma_start3A_460 = arith.constant 0 : i32
      %dma_start3A_461 = tpu.memref_slice %arg4[%add3A_457, %dma_start3A_460] : memref<32768x768xf32, #tpu.memory_space<hbm>> -> memref<16x768xf32, #tpu.memory_space<hbm>>
      tpu.enqueue_dma source(%arg8 : memref<16x768xf32, #tpu.memory_space<vmem>>) target(%dma_start3A_461 : memref<16x768xf32, #tpu.memory_space<hbm>>) target_semaphore(%arg24 : memref<!tpu.dma_semaphore, #tpu.memory_space<semaphore_mem>>)
      %add3A_462 = arith.constant 3 : i32
      %add3A_463 = arith.addi %mul3A_360, %add3A_462 : i32
      %mul3A_464 = arith.constant 16 : i32
      %mul3A_465 = arith.muli %add3A_463, %mul3A_464 : i32
      %dma_wait3A_466 = tpu.memref_slice %arg5[%mul3A_465] : memref<1024xi32, #tpu.memory_space<vmem>> -> memref<16xi32, #tpu.memory_space<vmem>>
      %dma_wait3A_467 = arith.constant 0 : i32
      %dma_wait3A_468 = arith.constant 0 : i32
      %dma_wait3A_469 = tpu.memref_slice %arg2[%dma_wait3A_467, %dma_wait3A_468] : memref<65536x768xf32, #tpu.memory_space<hbm>> -> memref<65536x768xf32, #tpu.memory_space<hbm>>
      tpu.wait_indirect_dma semaphore(%arg17 : memref<!tpu.dma_semaphore, #tpu.memory_space<semaphore_mem>>) src(%dma_wait3A_469 : memref<65536x768xf32, #tpu.memory_space<hbm>>) dst(%arg9 : memref<16x768xf32, #tpu.memory_space<vmem>>)
      %sub3A_470 = arith.constant 1 : i32
      %sub3A_471 = arith.subi %add3A_463, %sub3A_470 : i32
      %mul3A_472 = arith.constant 16 : i32
      %mul3A_473 = arith.muli %sub3A_471, %mul3A_472 : i32
      %add3A_474 = arith.addi %mul3A_2, %mul3A_473 : i32
      %dma_wait3A_475 = arith.constant 0 : i32
      %dma_wait3A_476 = tpu.memref_slice %arg4[%add3A_474, %dma_wait3A_475] : memref<32768x768xf32, #tpu.memory_space<hbm>> -> memref<16x768xf32, #tpu.memory_space<hbm>>
      %dma_wait3A_477 = arith.constant 0 : i32
      %dma_wait3A_478 = tpu.memref_slice %arg4[%add3A_474, %dma_wait3A_477] : memref<32768x768xf32, #tpu.memory_space<hbm>> -> memref<16x768xf32, #tpu.memory_space<hbm>>
      tpu.wait_dma2 semaphore(%arg24 : memref<!tpu.dma_semaphore, #tpu.memory_space<semaphore_mem>>) src(%arg8 : memref<16x768xf32, #tpu.memory_space<vmem>>) dst(%dma_wait3A_478 : memref<16x768xf32, #tpu.memory_space<hbm>>)
      %add3A_479 = arith.constant 8 : i32
      %add3A_480 = arith.addi %add3A_463, %add3A_479 : i32
      %sub3A_481 = arith.constant 1 : i32
      %sub3A_482 = arith.subi %add3A_480, %sub3A_481 : i32
      %mul3A_483 = arith.constant 16 : i32
      %mul3A_484 = arith.muli %sub3A_482, %mul3A_483 : i32
      %dma_start3A_485 = tpu.memref_slice %arg5[%mul3A_484] : memref<1024xi32, #tpu.memory_space<vmem>> -> memref<16xi32, #tpu.memory_space<vmem>>
      %dma_start3A_486 = arith.constant 0 : i32
      %dma_start3A_487 = arith.constant 0 : i32
      %dma_start3A_488 = tpu.memref_slice %arg2[%dma_start3A_486, %dma_start3A_487] : memref<65536x768xf32, #tpu.memory_space<hbm>> -> memref<65536x768xf32, #tpu.memory_space<hbm>>
      tpu.enqueue_indirect_dma source(%dma_start3A_488 : memref<65536x768xf32, #tpu.memory_space<hbm>>) target(%arg8 : memref<16x768xf32, #tpu.memory_space<vmem>>) offsets(%dma_start3A_485 : memref<16xi32, #tpu.memory_space<vmem>>) semaphore(%arg16 : memref<!tpu.dma_semaphore, #tpu.memory_space<semaphore_mem>>)
      %mul3A_489 = arith.constant 16 : i32
      %mul3A_490 = arith.muli %add3A_463, %mul3A_489 : i32
      %add3A_491 = arith.addi %mul3A_2, %mul3A_490 : i32
      %dma_start3A_492 = arith.constant 0 : i32
      %dma_start3A_493 = tpu.memref_slice %arg4[%add3A_491, %dma_start3A_492] : memref<32768x768xf32, #tpu.memory_space<hbm>> -> memref<16x768xf32, #tpu.memory_space<hbm>>
      %dma_start3A_494 = arith.constant 0 : i32
      %dma_start3A_495 = tpu.memref_slice %arg4[%add3A_491, %dma_start3A_494] : memref<32768x768xf32, #tpu.memory_space<hbm>> -> memref<16x768xf32, #tpu.memory_space<hbm>>
      tpu.enqueue_dma source(%arg9 : memref<16x768xf32, #tpu.memory_space<vmem>>) target(%dma_start3A_495 : memref<16x768xf32, #tpu.memory_space<hbm>>) target_semaphore(%arg25 : memref<!tpu.dma_semaphore, #tpu.memory_space<semaphore_mem>>)
      %add3A_496 = arith.constant 4 : i32
      %add3A_497 = arith.addi %mul3A_360, %add3A_496 : i32
      %mul3A_498 = arith.constant 16 : i32
      %mul3A_499 = arith.muli %add3A_497, %mul3A_498 : i32
      %dma_wait3A_500 = tpu.memref_slice %arg5[%mul3A_499] : memref<1024xi32, #tpu.memory_space<vmem>> -> memref<16xi32, #tpu.memory_space<vmem>>
      %dma_wait3A_501 = arith.constant 0 : i32
      %dma_wait3A_502 = arith.constant 0 : i32
      %dma_wait3A_503 = tpu.memref_slice %arg2[%dma_wait3A_501, %dma_wait3A_502] : memref<65536x768xf32, #tpu.memory_space<hbm>> -> memref<65536x768xf32, #tpu.memory_space<hbm>>
      tpu.wait_indirect_dma semaphore(%arg18 : memref<!tpu.dma_semaphore, #tpu.memory_space<semaphore_mem>>) src(%dma_wait3A_503 : memref<65536x768xf32, #tpu.memory_space<hbm>>) dst(%arg10 : memref<16x768xf32, #tpu.memory_space<vmem>>)
      %sub3A_504 = arith.constant 1 : i32
      %sub3A_505 = arith.subi %add3A_497, %sub3A_504 : i32
      %mul3A_506 = arith.constant 16 : i32
      %mul3A_507 = arith.muli %sub3A_505, %mul3A_506 : i32
      %add3A_508 = arith.addi %mul3A_2, %mul3A_507 : i32
      %dma_wait3A_509 = arith.constant 0 : i32
      %dma_wait3A_510 = tpu.memref_slice %arg4[%add3A_508, %dma_wait3A_509] : memref<32768x768xf32, #tpu.memory_space<hbm>> -> memref<16x768xf32, #tpu.memory_space<hbm>>
      %dma_wait3A_511 = arith.constant 0 : i32
      %dma_wait3A_512 = tpu.memref_slice %arg4[%add3A_508, %dma_wait3A_511] : memref<32768x768xf32, #tpu.memory_space<hbm>> -> memref<16x768xf32, #tpu.memory_space<hbm>>
      tpu.wait_dma2 semaphore(%arg25 : memref<!tpu.dma_semaphore, #tpu.memory_space<semaphore_mem>>) src(%arg9 : memref<16x768xf32, #tpu.memory_space<vmem>>) dst(%dma_wait3A_512 : memref<16x768xf32, #tpu.memory_space<hbm>>)
      %add3A_513 = arith.constant 8 : i32
      %add3A_514 = arith.addi %add3A_497, %add3A_513 : i32
      %sub3A_515 = arith.constant 1 : i32
      %sub3A_516 = arith.subi %add3A_514, %sub3A_515 : i32
      %mul3A_517 = arith.constant 16 : i32
      %mul3A_518 = arith.muli %sub3A_516, %mul3A_517 : i32
      %dma_start3A_519 = tpu.memref_slice %arg5[%mul3A_518] : memref<1024xi32, #tpu.memory_space<vmem>> -> memref<16xi32, #tpu.memory_space<vmem>>
      %dma_start3A_520 = arith.constant 0 : i32
      %dma_start3A_521 = arith.constant 0 : i32
      %dma_start3A_522 = tpu.memref_slice %arg2[%dma_start3A_520, %dma_start3A_521] : memref<65536x768xf32, #tpu.memory_space<hbm>> -> memref<65536x768xf32, #tpu.memory_space<hbm>>
      tpu.enqueue_indirect_dma source(%dma_start3A_522 : memref<65536x768xf32, #tpu.memory_space<hbm>>) target(%arg9 : memref<16x768xf32, #tpu.memory_space<vmem>>) offsets(%dma_start3A_519 : memref<16xi32, #tpu.memory_space<vmem>>) semaphore(%arg17 : memref<!tpu.dma_semaphore, #tpu.memory_space<semaphore_mem>>)
      %mul3A_523 = arith.constant 16 : i32
      %mul3A_524 = arith.muli %add3A_497, %mul3A_523 : i32
      %add3A_525 = arith.addi %mul3A_2, %mul3A_524 : i32
      %dma_start3A_526 = arith.constant 0 : i32
      %dma_start3A_527 = tpu.memref_slice %arg4[%add3A_525, %dma_start3A_526] : memref<32768x768xf32, #tpu.memory_space<hbm>> -> memref<16x768xf32, #tpu.memory_space<hbm>>
      %dma_start3A_528 = arith.constant 0 : i32
      %dma_start3A_529 = tpu.memref_slice %arg4[%add3A_525, %dma_start3A_528] : memref<32768x768xf32, #tpu.memory_space<hbm>> -> memref<16x768xf32, #tpu.memory_space<hbm>>
      tpu.enqueue_dma source(%arg10 : memref<16x768xf32, #tpu.memory_space<vmem>>) target(%dma_start3A_529 : memref<16x768xf32, #tpu.memory_space<hbm>>) target_semaphore(%arg26 : memref<!tpu.dma_semaphore, #tpu.memory_space<semaphore_mem>>)
      %add3A_530 = arith.constant 5 : i32
      %add3A_531 = arith.addi %mul3A_360, %add3A_530 : i32
      %mul3A_532 = arith.constant 16 : i32
      %mul3A_533 = arith.muli %add3A_531, %mul3A_532 : i32
      %dma_wait3A_534 = tpu.memref_slice %arg5[%mul3A_533] : memref<1024xi32, #tpu.memory_space<vmem>> -> memref<16xi32, #tpu.memory_space<vmem>>
      %dma_wait3A_535 = arith.constant 0 : i32
      %dma_wait3A_536 = arith.constant 0 : i32
      %dma_wait3A_537 = tpu.memref_slice %arg2[%dma_wait3A_535, %dma_wait3A_536] : memref<65536x768xf32, #tpu.memory_space<hbm>> -> memref<65536x768xf32, #tpu.memory_space<hbm>>
      tpu.wait_indirect_dma semaphore(%arg19 : memref<!tpu.dma_semaphore, #tpu.memory_space<semaphore_mem>>) src(%dma_wait3A_537 : memref<65536x768xf32, #tpu.memory_space<hbm>>) dst(%arg11 : memref<16x768xf32, #tpu.memory_space<vmem>>)
      %sub3A_538 = arith.constant 1 : i32
      %sub3A_539 = arith.subi %add3A_531, %sub3A_538 : i32
      %mul3A_540 = arith.constant 16 : i32
      %mul3A_541 = arith.muli %sub3A_539, %mul3A_540 : i32
      %add3A_542 = arith.addi %mul3A_2, %mul3A_541 : i32
      %dma_wait3A_543 = arith.constant 0 : i32
      %dma_wait3A_544 = tpu.memref_slice %arg4[%add3A_542, %dma_wait3A_543] : memref<32768x768xf32, #tpu.memory_space<hbm>> -> memref<16x768xf32, #tpu.memory_space<hbm>>
      %dma_wait3A_545 = arith.constant 0 : i32
      %dma_wait3A_546 = tpu.memref_slice %arg4[%add3A_542, %dma_wait3A_545] : memref<32768x768xf32, #tpu.memory_space<hbm>> -> memref<16x768xf32, #tpu.memory_space<hbm>>
      tpu.wait_dma2 semaphore(%arg26 : memref<!tpu.dma_semaphore, #tpu.memory_space<semaphore_mem>>) src(%arg10 : memref<16x768xf32, #tpu.memory_space<vmem>>) dst(%dma_wait3A_546 : memref<16x768xf32, #tpu.memory_space<hbm>>)
      %add3A_547 = arith.constant 8 : i32
      %add3A_548 = arith.addi %add3A_531, %add3A_547 : i32
      %sub3A_549 = arith.constant 1 : i32
      %sub3A_550 = arith.subi %add3A_548, %sub3A_549 : i32
      %mul3A_551 = arith.constant 16 : i32
      %mul3A_552 = arith.muli %sub3A_550, %mul3A_551 : i32
      %dma_start3A_553 = tpu.memref_slice %arg5[%mul3A_552] : memref<1024xi32, #tpu.memory_space<vmem>> -> memref<16xi32, #tpu.memory_space<vmem>>
      %dma_start3A_554 = arith.constant 0 : i32
      %dma_start3A_555 = arith.constant 0 : i32
      %dma_start3A_556 = tpu.memref_slice %arg2[%dma_start3A_554, %dma_start3A_555] : memref<65536x768xf32, #tpu.memory_space<hbm>> -> memref<65536x768xf32, #tpu.memory_space<hbm>>
      tpu.enqueue_indirect_dma source(%dma_start3A_556 : memref<65536x768xf32, #tpu.memory_space<hbm>>) target(%arg10 : memref<16x768xf32, #tpu.memory_space<vmem>>) offsets(%dma_start3A_553 : memref<16xi32, #tpu.memory_space<vmem>>) semaphore(%arg18 : memref<!tpu.dma_semaphore, #tpu.memory_space<semaphore_mem>>)
      %mul3A_557 = arith.constant 16 : i32
      %mul3A_558 = arith.muli %add3A_531, %mul3A_557 : i32
      %add3A_559 = arith.addi %mul3A_2, %mul3A_558 : i32
      %dma_start3A_560 = arith.constant 0 : i32
      %dma_start3A_561 = tpu.memref_slice %arg4[%add3A_559, %dma_start3A_560] : memref<32768x768xf32, #tpu.memory_space<hbm>> -> memref<16x768xf32, #tpu.memory_space<hbm>>
      %dma_start3A_562 = arith.constant 0 : i32
      %dma_start3A_563 = tpu.memref_slice %arg4[%add3A_559, %dma_start3A_562] : memref<32768x768xf32, #tpu.memory_space<hbm>> -> memref<16x768xf32, #tpu.memory_space<hbm>>
      tpu.enqueue_dma source(%arg11 : memref<16x768xf32, #tpu.memory_space<vmem>>) target(%dma_start3A_563 : memref<16x768xf32, #tpu.memory_space<hbm>>) target_semaphore(%arg27 : memref<!tpu.dma_semaphore, #tpu.memory_space<semaphore_mem>>)
      %add3A_564 = arith.constant 6 : i32
      %add3A_565 = arith.addi %mul3A_360, %add3A_564 : i32
      %mul3A_566 = arith.constant 16 : i32
      %mul3A_567 = arith.muli %add3A_565, %mul3A_566 : i32
      %dma_wait3A_568 = tpu.memref_slice %arg5[%mul3A_567] : memref<1024xi32, #tpu.memory_space<vmem>> -> memref<16xi32, #tpu.memory_space<vmem>>
      %dma_wait3A_569 = arith.constant 0 : i32
      %dma_wait3A_570 = arith.constant 0 : i32
      %dma_wait3A_571 = tpu.memref_slice %arg2[%dma_wait3A_569, %dma_wait3A_570] : memref<65536x768xf32, #tpu.memory_space<hbm>> -> memref<65536x768xf32, #tpu.memory_space<hbm>>
      tpu.wait_indirect_dma semaphore(%arg20 : memref<!tpu.dma_semaphore, #tpu.memory_space<semaphore_mem>>) src(%dma_wait3A_571 : memref<65536x768xf32, #tpu.memory_space<hbm>>) dst(%arg12 : memref<16x768xf32, #tpu.memory_space<vmem>>)
      %sub3A_572 = arith.constant 1 : i32
      %sub3A_573 = arith.subi %add3A_565, %sub3A_572 : i32
      %mul3A_574 = arith.constant 16 : i32
      %mul3A_575 = arith.muli %sub3A_573, %mul3A_574 : i32
      %add3A_576 = arith.addi %mul3A_2, %mul3A_575 : i32
      %dma_wait3A_577 = arith.constant 0 : i32
      %dma_wait3A_578 = tpu.memref_slice %arg4[%add3A_576, %dma_wait3A_577] : memref<32768x768xf32, #tpu.memory_space<hbm>> -> memref<16x768xf32, #tpu.memory_space<hbm>>
      %dma_wait3A_579 = arith.constant 0 : i32
      %dma_wait3A_580 = tpu.memref_slice %arg4[%add3A_576, %dma_wait3A_579] : memref<32768x768xf32, #tpu.memory_space<hbm>> -> memref<16x768xf32, #tpu.memory_space<hbm>>
      tpu.wait_dma2 semaphore(%arg27 : memref<!tpu.dma_semaphore, #tpu.memory_space<semaphore_mem>>) src(%arg11 : memref<16x768xf32, #tpu.memory_space<vmem>>) dst(%dma_wait3A_580 : memref<16x768xf32, #tpu.memory_space<hbm>>)
      %add3A_581 = arith.constant 8 : i32
      %add3A_582 = arith.addi %add3A_565, %add3A_581 : i32
      %sub3A_583 = arith.constant 1 : i32
      %sub3A_584 = arith.subi %add3A_582, %sub3A_583 : i32
      %mul3A_585 = arith.constant 16 : i32
      %mul3A_586 = arith.muli %sub3A_584, %mul3A_585 : i32
      %dma_start3A_587 = tpu.memref_slice %arg5[%mul3A_586] : memref<1024xi32, #tpu.memory_space<vmem>> -> memref<16xi32, #tpu.memory_space<vmem>>
      %dma_start3A_588 = arith.constant 0 : i32
      %dma_start3A_589 = arith.constant 0 : i32
      %dma_start3A_590 = tpu.memref_slice %arg2[%dma_start3A_588, %dma_start3A_589] : memref<65536x768xf32, #tpu.memory_space<hbm>> -> memref<65536x768xf32, #tpu.memory_space<hbm>>
      tpu.enqueue_indirect_dma source(%dma_start3A_590 : memref<65536x768xf32, #tpu.memory_space<hbm>>) target(%arg11 : memref<16x768xf32, #tpu.memory_space<vmem>>) offsets(%dma_start3A_587 : memref<16xi32, #tpu.memory_space<vmem>>) semaphore(%arg19 : memref<!tpu.dma_semaphore, #tpu.memory_space<semaphore_mem>>)
      %mul3A_591 = arith.constant 16 : i32
      %mul3A_592 = arith.muli %add3A_565, %mul3A_591 : i32
      %add3A_593 = arith.addi %mul3A_2, %mul3A_592 : i32
      %dma_start3A_594 = arith.constant 0 : i32
      %dma_start3A_595 = tpu.memref_slice %arg4[%add3A_593, %dma_start3A_594] : memref<32768x768xf32, #tpu.memory_space<hbm>> -> memref<16x768xf32, #tpu.memory_space<hbm>>
      %dma_start3A_596 = arith.constant 0 : i32
      %dma_start3A_597 = tpu.memref_slice %arg4[%add3A_593, %dma_start3A_596] : memref<32768x768xf32, #tpu.memory_space<hbm>> -> memref<16x768xf32, #tpu.memory_space<hbm>>
      tpu.enqueue_dma source(%arg12 : memref<16x768xf32, #tpu.memory_space<vmem>>) target(%dma_start3A_597 : memref<16x768xf32, #tpu.memory_space<hbm>>) target_semaphore(%arg28 : memref<!tpu.dma_semaphore, #tpu.memory_space<semaphore_mem>>)
      %add3A_598 = arith.constant 7 : i32
      %add3A_599 = arith.addi %mul3A_360, %add3A_598 : i32
      %mul3A_600 = arith.constant 16 : i32
      %mul3A_601 = arith.muli %add3A_599, %mul3A_600 : i32
      %dma_wait3A_602 = tpu.memref_slice %arg5[%mul3A_601] : memref<1024xi32, #tpu.memory_space<vmem>> -> memref<16xi32, #tpu.memory_space<vmem>>
      %dma_wait3A_603 = arith.constant 0 : i32
      %dma_wait3A_604 = arith.constant 0 : i32
      %dma_wait3A_605 = tpu.memref_slice %arg2[%dma_wait3A_603, %dma_wait3A_604] : memref<65536x768xf32, #tpu.memory_space<hbm>> -> memref<65536x768xf32, #tpu.memory_space<hbm>>
      tpu.wait_indirect_dma semaphore(%arg21 : memref<!tpu.dma_semaphore, #tpu.memory_space<semaphore_mem>>) src(%dma_wait3A_605 : memref<65536x768xf32, #tpu.memory_space<hbm>>) dst(%arg13 : memref<16x768xf32, #tpu.memory_space<vmem>>)
      %sub3A_606 = arith.constant 1 : i32
      %sub3A_607 = arith.subi %add3A_599, %sub3A_606 : i32
      %mul3A_608 = arith.constant 16 : i32
      %mul3A_609 = arith.muli %sub3A_607, %mul3A_608 : i32
      %add3A_610 = arith.addi %mul3A_2, %mul3A_609 : i32
      %dma_wait3A_611 = arith.constant 0 : i32
      %dma_wait3A_612 = tpu.memref_slice %arg4[%add3A_610, %dma_wait3A_611] : memref<32768x768xf32, #tpu.memory_space<hbm>> -> memref<16x768xf32, #tpu.memory_space<hbm>>
      %dma_wait3A_613 = arith.constant 0 : i32
      %dma_wait3A_614 = tpu.memref_slice %arg4[%add3A_610, %dma_wait3A_613] : memref<32768x768xf32, #tpu.memory_space<hbm>> -> memref<16x768xf32, #tpu.memory_space<hbm>>
      tpu.wait_dma2 semaphore(%arg28 : memref<!tpu.dma_semaphore, #tpu.memory_space<semaphore_mem>>) src(%arg12 : memref<16x768xf32, #tpu.memory_space<vmem>>) dst(%dma_wait3A_614 : memref<16x768xf32, #tpu.memory_space<hbm>>)
      %add3A_615 = arith.constant 8 : i32
      %add3A_616 = arith.addi %add3A_599, %add3A_615 : i32
      %sub3A_617 = arith.constant 1 : i32
      %sub3A_618 = arith.subi %add3A_616, %sub3A_617 : i32
      %mul3A_619 = arith.constant 16 : i32
      %mul3A_620 = arith.muli %sub3A_618, %mul3A_619 : i32
      %dma_start3A_621 = tpu.memref_slice %arg5[%mul3A_620] : memref<1024xi32, #tpu.memory_space<vmem>> -> memref<16xi32, #tpu.memory_space<vmem>>
      %dma_start3A_622 = arith.constant 0 : i32
      %dma_start3A_623 = arith.constant 0 : i32
      %dma_start3A_624 = tpu.memref_slice %arg2[%dma_start3A_622, %dma_start3A_623] : memref<65536x768xf32, #tpu.memory_space<hbm>> -> memref<65536x768xf32, #tpu.memory_space<hbm>>
      tpu.enqueue_indirect_dma source(%dma_start3A_624 : memref<65536x768xf32, #tpu.memory_space<hbm>>) target(%arg12 : memref<16x768xf32, #tpu.memory_space<vmem>>) offsets(%dma_start3A_621 : memref<16xi32, #tpu.memory_space<vmem>>) semaphore(%arg20 : memref<!tpu.dma_semaphore, #tpu.memory_space<semaphore_mem>>)
      %mul3A_625 = arith.constant 16 : i32
      %mul3A_626 = arith.muli %add3A_599, %mul3A_625 : i32
      %add3A_627 = arith.addi %mul3A_2, %mul3A_626 : i32
      %dma_start3A_628 = arith.constant 0 : i32
      %dma_start3A_629 = tpu.memref_slice %arg4[%add3A_627, %dma_start3A_628] : memref<32768x768xf32, #tpu.memory_space<hbm>> -> memref<16x768xf32, #tpu.memory_space<hbm>>
      %dma_start3A_630 = arith.constant 0 : i32
      %dma_start3A_631 = tpu.memref_slice %arg4[%add3A_627, %dma_start3A_630] : memref<32768x768xf32, #tpu.memory_space<hbm>> -> memref<16x768xf32, #tpu.memory_space<hbm>>
      tpu.enqueue_dma source(%arg13 : memref<16x768xf32, #tpu.memory_space<vmem>>) target(%dma_start3A_631 : memref<16x768xf32, #tpu.memory_space<hbm>>) target_semaphore(%arg29 : memref<!tpu.dma_semaphore, #tpu.memory_space<semaphore_mem>>)
    }
    %scan3A_210 = arith.constant 6 : i32
    %dma_wait3A_211 = arith.constant 896 : i32
    %dma_wait3A_212 = tpu.memref_slice %arg5[%dma_wait3A_211] : memref<1024xi32, #tpu.memory_space<vmem>> -> memref<16xi32, #tpu.memory_space<vmem>>
    %dma_wait3A_213 = arith.constant 0 : i32
    %dma_wait3A_214 = arith.constant 0 : i32
    %dma_wait3A_215 = tpu.memref_slice %arg2[%dma_wait3A_213, %dma_wait3A_214] : memref<65536x768xf32, #tpu.memory_space<hbm>> -> memref<65536x768xf32, #tpu.memory_space<hbm>>
    tpu.wait_indirect_dma semaphore(%arg14 : memref<!tpu.dma_semaphore, #tpu.memory_space<semaphore_mem>>) src(%dma_wait3A_215 : memref<65536x768xf32, #tpu.memory_space<hbm>>) dst(%arg6 : memref<16x768xf32, #tpu.memory_space<vmem>>)
    %add3A_216 = arith.constant 880 : i32
    %add3A_217 = arith.addi %mul3A_2, %add3A_216 : i32
    %dma_wait3A_218 = arith.constant 0 : i32
    %dma_wait3A_219 = tpu.memref_slice %arg4[%add3A_217, %dma_wait3A_218] : memref<32768x768xf32, #tpu.memory_space<hbm>> -> memref<16x768xf32, #tpu.memory_space<hbm>>
    %dma_wait3A_220 = arith.constant 0 : i32
    %dma_wait3A_221 = tpu.memref_slice %arg4[%add3A_217, %dma_wait3A_220] : memref<32768x768xf32, #tpu.memory_space<hbm>> -> memref<16x768xf32, #tpu.memory_space<hbm>>
    tpu.wait_dma2 semaphore(%arg29 : memref<!tpu.dma_semaphore, #tpu.memory_space<semaphore_mem>>) src(%arg13 : memref<16x768xf32, #tpu.memory_space<vmem>>) dst(%dma_wait3A_221 : memref<16x768xf32, #tpu.memory_space<hbm>>)
    %dma_start3A_222 = arith.constant 1008 : i32
    %dma_start3A_223 = tpu.memref_slice %arg5[%dma_start3A_222] : memref<1024xi32, #tpu.memory_space<vmem>> -> memref<16xi32, #tpu.memory_space<vmem>>
    %dma_start3A_224 = arith.constant 0 : i32
    %dma_start3A_225 = arith.constant 0 : i32
    %dma_start3A_226 = tpu.memref_slice %arg2[%dma_start3A_224, %dma_start3A_225] : memref<65536x768xf32, #tpu.memory_space<hbm>> -> memref<65536x768xf32, #tpu.memory_space<hbm>>
    tpu.enqueue_indirect_dma source(%dma_start3A_226 : memref<65536x768xf32, #tpu.memory_space<hbm>>) target(%arg13 : memref<16x768xf32, #tpu.memory_space<vmem>>) offsets(%dma_start3A_223 : memref<16xi32, #tpu.memory_space<vmem>>) semaphore(%arg21 : memref<!tpu.dma_semaphore, #tpu.memory_space<semaphore_mem>>)
    %add3A_227 = arith.constant 896 : i32
    %add3A_228 = arith.addi %mul3A_2, %add3A_227 : i32
    %dma_start3A_229 = arith.constant 0 : i32
    %dma_start3A_230 = tpu.memref_slice %arg4[%add3A_228, %dma_start3A_229] : memref<32768x768xf32, #tpu.memory_space<hbm>> -> memref<16x768xf32, #tpu.memory_space<hbm>>
    %dma_start3A_231 = arith.constant 0 : i32
    %dma_start3A_232 = tpu.memref_slice %arg4[%add3A_228, %dma_start3A_231] : memref<32768x768xf32, #tpu.memory_space<hbm>> -> memref<16x768xf32, #tpu.memory_space<hbm>>
    tpu.enqueue_dma source(%arg6 : memref<16x768xf32, #tpu.memory_space<vmem>>) target(%dma_start3A_232 : memref<16x768xf32, #tpu.memory_space<hbm>>) target_semaphore(%arg22 : memref<!tpu.dma_semaphore, #tpu.memory_space<semaphore_mem>>)
    %dma_wait3A_233 = arith.constant 912 : i32
    %dma_wait3A_234 = tpu.memref_slice %arg5[%dma_wait3A_233] : memref<1024xi32, #tpu.memory_space<vmem>> -> memref<16xi32, #tpu.memory_space<vmem>>
    %dma_wait3A_235 = arith.constant 0 : i32
    %dma_wait3A_236 = arith.constant 0 : i32
    %dma_wait3A_237 = tpu.memref_slice %arg2[%dma_wait3A_235, %dma_wait3A_236] : memref<65536x768xf32, #tpu.memory_space<hbm>> -> memref<65536x768xf32, #tpu.memory_space<hbm>>
    tpu.wait_indirect_dma semaphore(%arg15 : memref<!tpu.dma_semaphore, #tpu.memory_space<semaphore_mem>>) src(%dma_wait3A_237 : memref<65536x768xf32, #tpu.memory_space<hbm>>) dst(%arg7 : memref<16x768xf32, #tpu.memory_space<vmem>>)
    %add3A_238 = arith.constant 896 : i32
    %add3A_239 = arith.addi %mul3A_2, %add3A_238 : i32
    %dma_wait3A_240 = arith.constant 0 : i32
    %dma_wait3A_241 = tpu.memref_slice %arg4[%add3A_239, %dma_wait3A_240] : memref<32768x768xf32, #tpu.memory_space<hbm>> -> memref<16x768xf32, #tpu.memory_space<hbm>>
    %dma_wait3A_242 = arith.constant 0 : i32
    %dma_wait3A_243 = tpu.memref_slice %arg4[%add3A_239, %dma_wait3A_242] : memref<32768x768xf32, #tpu.memory_space<hbm>> -> memref<16x768xf32, #tpu.memory_space<hbm>>
    tpu.wait_dma2 semaphore(%arg22 : memref<!tpu.dma_semaphore, #tpu.memory_space<semaphore_mem>>) src(%arg6 : memref<16x768xf32, #tpu.memory_space<vmem>>) dst(%dma_wait3A_243 : memref<16x768xf32, #tpu.memory_space<hbm>>)
    %add3A_244 = arith.constant 912 : i32
    %add3A_245 = arith.addi %mul3A_2, %add3A_244 : i32
    %dma_start3A_246 = arith.constant 0 : i32
    %dma_start3A_247 = tpu.memref_slice %arg4[%add3A_245, %dma_start3A_246] : memref<32768x768xf32, #tpu.memory_space<hbm>> -> memref<16x768xf32, #tpu.memory_space<hbm>>
    %dma_start3A_248 = arith.constant 0 : i32
    %dma_start3A_249 = tpu.memref_slice %arg4[%add3A_245, %dma_start3A_248] : memref<32768x768xf32, #tpu.memory_space<hbm>> -> memref<16x768xf32, #tpu.memory_space<hbm>>
    tpu.enqueue_dma source(%arg7 : memref<16x768xf32, #tpu.memory_space<vmem>>) target(%dma_start3A_249 : memref<16x768xf32, #tpu.memory_space<hbm>>) target_semaphore(%arg23 : memref<!tpu.dma_semaphore, #tpu.memory_space<semaphore_mem>>)
    %dma_wait3A_250 = arith.constant 928 : i32
    %dma_wait3A_251 = tpu.memref_slice %arg5[%dma_wait3A_250] : memref<1024xi32, #tpu.memory_space<vmem>> -> memref<16xi32, #tpu.memory_space<vmem>>
    %dma_wait3A_252 = arith.constant 0 : i32
    %dma_wait3A_253 = arith.constant 0 : i32
    %dma_wait3A_254 = tpu.memref_slice %arg2[%dma_wait3A_252, %dma_wait3A_253] : memref<65536x768xf32, #tpu.memory_space<hbm>> -> memref<65536x768xf32, #tpu.memory_space<hbm>>
    tpu.wait_indirect_dma semaphore(%arg16 : memref<!tpu.dma_semaphore, #tpu.memory_space<semaphore_mem>>) src(%dma_wait3A_254 : memref<65536x768xf32, #tpu.memory_space<hbm>>) dst(%arg8 : memref<16x768xf32, #tpu.memory_space<vmem>>)
    %add3A_255 = arith.constant 912 : i32
    %add3A_256 = arith.addi %mul3A_2, %add3A_255 : i32
    %dma_wait3A_257 = arith.constant 0 : i32
    %dma_wait3A_258 = tpu.memref_slice %arg4[%add3A_256, %dma_wait3A_257] : memref<32768x768xf32, #tpu.memory_space<hbm>> -> memref<16x768xf32, #tpu.memory_space<hbm>>
    %dma_wait3A_259 = arith.constant 0 : i32
    %dma_wait3A_260 = tpu.memref_slice %arg4[%add3A_256, %dma_wait3A_259] : memref<32768x768xf32, #tpu.memory_space<hbm>> -> memref<16x768xf32, #tpu.memory_space<hbm>>
    tpu.wait_dma2 semaphore(%arg23 : memref<!tpu.dma_semaphore, #tpu.memory_space<semaphore_mem>>) src(%arg7 : memref<16x768xf32, #tpu.memory_space<vmem>>) dst(%dma_wait3A_260 : memref<16x768xf32, #tpu.memory_space<hbm>>)
    %add3A_261 = arith.constant 928 : i32
    %add3A_262 = arith.addi %mul3A_2, %add3A_261 : i32
    %dma_start3A_263 = arith.constant 0 : i32
    %dma_start3A_264 = tpu.memref_slice %arg4[%add3A_262, %dma_start3A_263] : memref<32768x768xf32, #tpu.memory_space<hbm>> -> memref<16x768xf32, #tpu.memory_space<hbm>>
    %dma_start3A_265 = arith.constant 0 : i32
    %dma_start3A_266 = tpu.memref_slice %arg4[%add3A_262, %dma_start3A_265] : memref<32768x768xf32, #tpu.memory_space<hbm>> -> memref<16x768xf32, #tpu.memory_space<hbm>>
    tpu.enqueue_dma source(%arg8 : memref<16x768xf32, #tpu.memory_space<vmem>>) target(%dma_start3A_266 : memref<16x768xf32, #tpu.memory_space<hbm>>) target_semaphore(%arg24 : memref<!tpu.dma_semaphore, #tpu.memory_space<semaphore_mem>>)
    %dma_wait3A_267 = arith.constant 944 : i32
    %dma_wait3A_268 = tpu.memref_slice %arg5[%dma_wait3A_267] : memref<1024xi32, #tpu.memory_space<vmem>> -> memref<16xi32, #tpu.memory_space<vmem>>
    %dma_wait3A_269 = arith.constant 0 : i32
    %dma_wait3A_270 = arith.constant 0 : i32
    %dma_wait3A_271 = tpu.memref_slice %arg2[%dma_wait3A_269, %dma_wait3A_270] : memref<65536x768xf32, #tpu.memory_space<hbm>> -> memref<65536x768xf32, #tpu.memory_space<hbm>>
    tpu.wait_indirect_dma semaphore(%arg17 : memref<!tpu.dma_semaphore, #tpu.memory_space<semaphore_mem>>) src(%dma_wait3A_271 : memref<65536x768xf32, #tpu.memory_space<hbm>>) dst(%arg9 : memref<16x768xf32, #tpu.memory_space<vmem>>)
    %add3A_272 = arith.constant 928 : i32
    %add3A_273 = arith.addi %mul3A_2, %add3A_272 : i32
    %dma_wait3A_274 = arith.constant 0 : i32
    %dma_wait3A_275 = tpu.memref_slice %arg4[%add3A_273, %dma_wait3A_274] : memref<32768x768xf32, #tpu.memory_space<hbm>> -> memref<16x768xf32, #tpu.memory_space<hbm>>
    %dma_wait3A_276 = arith.constant 0 : i32
    %dma_wait3A_277 = tpu.memref_slice %arg4[%add3A_273, %dma_wait3A_276] : memref<32768x768xf32, #tpu.memory_space<hbm>> -> memref<16x768xf32, #tpu.memory_space<hbm>>
    tpu.wait_dma2 semaphore(%arg24 : memref<!tpu.dma_semaphore, #tpu.memory_space<semaphore_mem>>) src(%arg8 : memref<16x768xf32, #tpu.memory_space<vmem>>) dst(%dma_wait3A_277 : memref<16x768xf32, #tpu.memory_space<hbm>>)
    %add3A_278 = arith.constant 944 : i32
    %add3A_279 = arith.addi %mul3A_2, %add3A_278 : i32
    %dma_start3A_280 = arith.constant 0 : i32
    %dma_start3A_281 = tpu.memref_slice %arg4[%add3A_279, %dma_start3A_280] : memref<32768x768xf32, #tpu.memory_space<hbm>> -> memref<16x768xf32, #tpu.memory_space<hbm>>
    %dma_start3A_282 = arith.constant 0 : i32
    %dma_start3A_283 = tpu.memref_slice %arg4[%add3A_279, %dma_start3A_282] : memref<32768x768xf32, #tpu.memory_space<hbm>> -> memref<16x768xf32, #tpu.memory_space<hbm>>
    tpu.enqueue_dma source(%arg9 : memref<16x768xf32, #tpu.memory_space<vmem>>) target(%dma_start3A_283 : memref<16x768xf32, #tpu.memory_space<hbm>>) target_semaphore(%arg25 : memref<!tpu.dma_semaphore, #tpu.memory_space<semaphore_mem>>)
    %dma_wait3A_284 = arith.constant 960 : i32
    %dma_wait3A_285 = tpu.memref_slice %arg5[%dma_wait3A_284] : memref<1024xi32, #tpu.memory_space<vmem>> -> memref<16xi32, #tpu.memory_space<vmem>>
    %dma_wait3A_286 = arith.constant 0 : i32
    %dma_wait3A_287 = arith.constant 0 : i32
    %dma_wait3A_288 = tpu.memref_slice %arg2[%dma_wait3A_286, %dma_wait3A_287] : memref<65536x768xf32, #tpu.memory_space<hbm>> -> memref<65536x768xf32, #tpu.memory_space<hbm>>
    tpu.wait_indirect_dma semaphore(%arg18 : memref<!tpu.dma_semaphore, #tpu.memory_space<semaphore_mem>>) src(%dma_wait3A_288 : memref<65536x768xf32, #tpu.memory_space<hbm>>) dst(%arg10 : memref<16x768xf32, #tpu.memory_space<vmem>>)
    %add3A_289 = arith.constant 944 : i32
    %add3A_290 = arith.addi %mul3A_2, %add3A_289 : i32
    %dma_wait3A_291 = arith.constant 0 : i32
    %dma_wait3A_292 = tpu.memref_slice %arg4[%add3A_290, %dma_wait3A_291] : memref<32768x768xf32, #tpu.memory_space<hbm>> -> memref<16x768xf32, #tpu.memory_space<hbm>>
    %dma_wait3A_293 = arith.constant 0 : i32
    %dma_wait3A_294 = tpu.memref_slice %arg4[%add3A_290, %dma_wait3A_293] : memref<32768x768xf32, #tpu.memory_space<hbm>> -> memref<16x768xf32, #tpu.memory_space<hbm>>
    tpu.wait_dma2 semaphore(%arg25 : memref<!tpu.dma_semaphore, #tpu.memory_space<semaphore_mem>>) src(%arg9 : memref<16x768xf32, #tpu.memory_space<vmem>>) dst(%dma_wait3A_294 : memref<16x768xf32, #tpu.memory_space<hbm>>)
    %add3A_295 = arith.constant 960 : i32
    %add3A_296 = arith.addi %mul3A_2, %add3A_295 : i32
    %dma_start3A_297 = arith.constant 0 : i32
    %dma_start3A_298 = tpu.memref_slice %arg4[%add3A_296, %dma_start3A_297] : memref<32768x768xf32, #tpu.memory_space<hbm>> -> memref<16x768xf32, #tpu.memory_space<hbm>>
    %dma_start3A_299 = arith.constant 0 : i32
    %dma_start3A_300 = tpu.memref_slice %arg4[%add3A_296, %dma_start3A_299] : memref<32768x768xf32, #tpu.memory_space<hbm>> -> memref<16x768xf32, #tpu.memory_space<hbm>>
    tpu.enqueue_dma source(%arg10 : memref<16x768xf32, #tpu.memory_space<vmem>>) target(%dma_start3A_300 : memref<16x768xf32, #tpu.memory_space<hbm>>) target_semaphore(%arg26 : memref<!tpu.dma_semaphore, #tpu.memory_space<semaphore_mem>>)
    %dma_wait3A_301 = arith.constant 976 : i32
    %dma_wait3A_302 = tpu.memref_slice %arg5[%dma_wait3A_301] : memref<1024xi32, #tpu.memory_space<vmem>> -> memref<16xi32, #tpu.memory_space<vmem>>
    %dma_wait3A_303 = arith.constant 0 : i32
    %dma_wait3A_304 = arith.constant 0 : i32
    %dma_wait3A_305 = tpu.memref_slice %arg2[%dma_wait3A_303, %dma_wait3A_304] : memref<65536x768xf32, #tpu.memory_space<hbm>> -> memref<65536x768xf32, #tpu.memory_space<hbm>>
    tpu.wait_indirect_dma semaphore(%arg19 : memref<!tpu.dma_semaphore, #tpu.memory_space<semaphore_mem>>) src(%dma_wait3A_305 : memref<65536x768xf32, #tpu.memory_space<hbm>>) dst(%arg11 : memref<16x768xf32, #tpu.memory_space<vmem>>)
    %add3A_306 = arith.constant 960 : i32
    %add3A_307 = arith.addi %mul3A_2, %add3A_306 : i32
    %dma_wait3A_308 = arith.constant 0 : i32
    %dma_wait3A_309 = tpu.memref_slice %arg4[%add3A_307, %dma_wait3A_308] : memref<32768x768xf32, #tpu.memory_space<hbm>> -> memref<16x768xf32, #tpu.memory_space<hbm>>
    %dma_wait3A_310 = arith.constant 0 : i32
    %dma_wait3A_311 = tpu.memref_slice %arg4[%add3A_307, %dma_wait3A_310] : memref<32768x768xf32, #tpu.memory_space<hbm>> -> memref<16x768xf32, #tpu.memory_space<hbm>>
    tpu.wait_dma2 semaphore(%arg26 : memref<!tpu.dma_semaphore, #tpu.memory_space<semaphore_mem>>) src(%arg10 : memref<16x768xf32, #tpu.memory_space<vmem>>) dst(%dma_wait3A_311 : memref<16x768xf32, #tpu.memory_space<hbm>>)
    %add3A_312 = arith.constant 976 : i32
    %add3A_313 = arith.addi %mul3A_2, %add3A_312 : i32
    %dma_start3A_314 = arith.constant 0 : i32
    %dma_start3A_315 = tpu.memref_slice %arg4[%add3A_313, %dma_start3A_314] : memref<32768x768xf32, #tpu.memory_space<hbm>> -> memref<16x768xf32, #tpu.memory_space<hbm>>
    %dma_start3A_316 = arith.constant 0 : i32
    %dma_start3A_317 = tpu.memref_slice %arg4[%add3A_313, %dma_start3A_316] : memref<32768x768xf32, #tpu.memory_space<hbm>> -> memref<16x768xf32, #tpu.memory_space<hbm>>
    tpu.enqueue_dma source(%arg11 : memref<16x768xf32, #tpu.memory_space<vmem>>) target(%dma_start3A_317 : memref<16x768xf32, #tpu.memory_space<hbm>>) target_semaphore(%arg27 : memref<!tpu.dma_semaphore, #tpu.memory_space<semaphore_mem>>)
    %dma_wait3A_318 = arith.constant 992 : i32
    %dma_wait3A_319 = tpu.memref_slice %arg5[%dma_wait3A_318] : memref<1024xi32, #tpu.memory_space<vmem>> -> memref<16xi32, #tpu.memory_space<vmem>>
    %dma_wait3A_320 = arith.constant 0 : i32
    %dma_wait3A_321 = arith.constant 0 : i32
    %dma_wait3A_322 = tpu.memref_slice %arg2[%dma_wait3A_320, %dma_wait3A_321] : memref<65536x768xf32, #tpu.memory_space<hbm>> -> memref<65536x768xf32, #tpu.memory_space<hbm>>
    tpu.wait_indirect_dma semaphore(%arg20 : memref<!tpu.dma_semaphore, #tpu.memory_space<semaphore_mem>>) src(%dma_wait3A_322 : memref<65536x768xf32, #tpu.memory_space<hbm>>) dst(%arg12 : memref<16x768xf32, #tpu.memory_space<vmem>>)
    %add3A_323 = arith.constant 976 : i32
    %add3A_324 = arith.addi %mul3A_2, %add3A_323 : i32
    %dma_wait3A_325 = arith.constant 0 : i32
    %dma_wait3A_326 = tpu.memref_slice %arg4[%add3A_324, %dma_wait3A_325] : memref<32768x768xf32, #tpu.memory_space<hbm>> -> memref<16x768xf32, #tpu.memory_space<hbm>>
    %dma_wait3A_327 = arith.constant 0 : i32
    %dma_wait3A_328 = tpu.memref_slice %arg4[%add3A_324, %dma_wait3A_327] : memref<32768x768xf32, #tpu.memory_space<hbm>> -> memref<16x768xf32, #tpu.memory_space<hbm>>
    tpu.wait_dma2 semaphore(%arg27 : memref<!tpu.dma_semaphore, #tpu.memory_space<semaphore_mem>>) src(%arg11 : memref<16x768xf32, #tpu.memory_space<vmem>>) dst(%dma_wait3A_328 : memref<16x768xf32, #tpu.memory_space<hbm>>)
    %add3A_329 = arith.constant 992 : i32
    %add3A_330 = arith.addi %mul3A_2, %add3A_329 : i32
    %dma_start3A_331 = arith.constant 0 : i32
    %dma_start3A_332 = tpu.memref_slice %arg4[%add3A_330, %dma_start3A_331] : memref<32768x768xf32, #tpu.memory_space<hbm>> -> memref<16x768xf32, #tpu.memory_space<hbm>>
    %dma_start3A_333 = arith.constant 0 : i32
    %dma_start3A_334 = tpu.memref_slice %arg4[%add3A_330, %dma_start3A_333] : memref<32768x768xf32, #tpu.memory_space<hbm>> -> memref<16x768xf32, #tpu.memory_space<hbm>>
    tpu.enqueue_dma source(%arg12 : memref<16x768xf32, #tpu.memory_space<vmem>>) target(%dma_start3A_334 : memref<16x768xf32, #tpu.memory_space<hbm>>) target_semaphore(%arg28 : memref<!tpu.dma_semaphore, #tpu.memory_space<semaphore_mem>>)
    %dma_wait3A_335 = arith.constant 1008 : i32
    %dma_wait3A_336 = tpu.memref_slice %arg5[%dma_wait3A_335] : memref<1024xi32, #tpu.memory_space<vmem>> -> memref<16xi32, #tpu.memory_space<vmem>>
    %dma_wait3A_337 = arith.constant 0 : i32
    %dma_wait3A_338 = arith.constant 0 : i32
    %dma_wait3A_339 = tpu.memref_slice %arg2[%dma_wait3A_337, %dma_wait3A_338] : memref<65536x768xf32, #tpu.memory_space<hbm>> -> memref<65536x768xf32, #tpu.memory_space<hbm>>
    tpu.wait_indirect_dma semaphore(%arg21 : memref<!tpu.dma_semaphore, #tpu.memory_space<semaphore_mem>>) src(%dma_wait3A_339 : memref<65536x768xf32, #tpu.memory_space<hbm>>) dst(%arg13 : memref<16x768xf32, #tpu.memory_space<vmem>>)
    %add3A_340 = arith.constant 992 : i32
    %add3A_341 = arith.addi %mul3A_2, %add3A_340 : i32
    %dma_wait3A_342 = arith.constant 0 : i32
    %dma_wait3A_343 = tpu.memref_slice %arg4[%add3A_341, %dma_wait3A_342] : memref<32768x768xf32, #tpu.memory_space<hbm>> -> memref<16x768xf32, #tpu.memory_space<hbm>>
    %dma_wait3A_344 = arith.constant 0 : i32
    %dma_wait3A_345 = tpu.memref_slice %arg4[%add3A_341, %dma_wait3A_344] : memref<32768x768xf32, #tpu.memory_space<hbm>> -> memref<16x768xf32, #tpu.memory_space<hbm>>
    tpu.wait_dma2 semaphore(%arg28 : memref<!tpu.dma_semaphore, #tpu.memory_space<semaphore_mem>>) src(%arg12 : memref<16x768xf32, #tpu.memory_space<vmem>>) dst(%dma_wait3A_345 : memref<16x768xf32, #tpu.memory_space<hbm>>)
    %add3A_346 = arith.constant 1008 : i32
    %add3A_347 = arith.addi %mul3A_2, %add3A_346 : i32
    %dma_start3A_348 = arith.constant 0 : i32
    %dma_start3A_349 = tpu.memref_slice %arg4[%add3A_347, %dma_start3A_348] : memref<32768x768xf32, #tpu.memory_space<hbm>> -> memref<16x768xf32, #tpu.memory_space<hbm>>
    %dma_start3A_350 = arith.constant 0 : i32
    %dma_start3A_351 = tpu.memref_slice %arg4[%add3A_347, %dma_start3A_350] : memref<32768x768xf32, #tpu.memory_space<hbm>> -> memref<16x768xf32, #tpu.memory_space<hbm>>
    tpu.enqueue_dma source(%arg13 : memref<16x768xf32, #tpu.memory_space<vmem>>) target(%dma_start3A_351 : memref<16x768xf32, #tpu.memory_space<hbm>>) target_semaphore(%arg29 : memref<!tpu.dma_semaphore, #tpu.memory_space<semaphore_mem>>)
    %add3A_352 = arith.constant 1008 : i32
    %add3A_353 = arith.addi %mul3A_2, %add3A_352 : i32
    %dma_wait3A_354 = arith.constant 0 : i32
    %dma_wait3A_355 = tpu.memref_slice %arg4[%add3A_353, %dma_wait3A_354] : memref<32768x768xf32, #tpu.memory_space<hbm>> -> memref<16x768xf32, #tpu.memory_space<hbm>>
    %dma_wait3A_356 = arith.constant 0 : i32
    %dma_wait3A_357 = tpu.memref_slice %arg4[%add3A_353, %dma_wait3A_356] : memref<32768x768xf32, #tpu.memory_space<hbm>> -> memref<16x768xf32, #tpu.memory_space<hbm>>
    tpu.wait_dma2 semaphore(%arg29 : memref<!tpu.dma_semaphore, #tpu.memory_space<semaphore_mem>>) src(%arg13 : memref<16x768xf32, #tpu.memory_space<vmem>>) dst(%dma_wait3A_357 : memref<16x768xf32, #tpu.memory_space<hbm>>)
    return
  }
}

</mosaic_0001>

<sc_bundles>
// kernel: kernel.3.cloned.1.call-start
scs
__scs_entry_jumppad:
0x0: {  	(pc) =	sbr.rel $0x88, $3  }
0x1: {  	(tag) =	ssettag $0x0;
	lr =	simm.s32 $0x1  }
0x2: {  	[smem:$0x3FA0] =	sst lr;
	_ =	strace $0xD0000000  }
0x3: {  	_ = 	snop  }
0x4: {  	_ = 	snop  }
0x5: {  	_ = 	snop  }
0x6: {  	_ = 	snop  }
0x7: {  	_ = 	snop  }
__scs_overlays_trampoline_lowered:
0x8: {  	[smem:$0x3FAF] =	sst s0  }
0x9: {  	[smem:$0x3FB0] =	sst s1  }
0xa: {  	[smem:$0x3FB1] =	sst s2  }
0xb: {  	[smem:$0x3FB2] =	sst s3  }
0xc: {  	[smem:$0x3FB3] =	sst s4  }
0xd: {  	[smem:$0x3FB4] =	sst s5  }
0xe: {  	[smem:$0x3FB5] =	sst s6  }
0xf: {  	[smem:$0x3FB6] =	sst s7  }
0x10: {  	[smem:$0x3FB7] =	sst s8  }
0x11: {  	[smem:$0x3FB8] =	sst s9;
	s0 =	simm.s32 @!p0 $0x0  }
0x12: {  	s1 =	sld [smem:$0x3F9E];
	s0 =	simm.s32 @p0 $0x1  }
0x13: {  	[smem:$0x3FB9] =	sst s0;
	s0 =	simm.s32 @!p1 $0x0  }
0x14: {  	s2 =	sld [smem:$0x3F9D];
	s0 =	simm.s32 @p1 $0x1  }
0x15: {  	[smem:$0x3FBA] =	sst s0;
	s0 =	simm.s32 @!p2 $0x0  }
0x16: {  	s3 =	sld [smem:$0x3FDB];
	s0 =	simm.s32 @p2 $0x1  }
0x17: {  	s4 =	simm.s32 $0x1BF5;
	[smem:$0x3FBC] =	sst s0  }
0x18: {  	s0 =	sld [smem:$0x3F9F];
	_ =	swait.ge [sflag:s4], $0x0  }
0x19: {  	s7 =	sld [smem:$0x3FA0]  }
0x1a: {  	s8 =	sadd.s32 $0xFFFFE003, lr  }
0x1b: {  	s9 =	sadd.s32 $0xFFFFFEF7, lr;
	s5 =	simm.s32 $0xFFFFFFFF;
	p2 =	slt.u32 s8, $0xFFFFF086  }
0x1c: {  	p1 =	slt.u32 s9, $0xF7A;
	s5 =	simm.s32 @!p2 $0x0  }
0x1d: {  	s5 =	simm.s32 @p1 $0x1;
	p0 =	seq.s32 s7, s2  }
0x1e: {  	s7 =	smul.u32 @!p0 $0xF7A, s2;
	p2 =	seq.s32 @!p0 s5, $0x0  }
0x1f: {  	s9 =	smul.u32 $0xF7A, s1;
	s8 =	simm.s32 @!p0 $0x1BF5;
	p2 =	por !p2, p0  }
0x20: {  	[sflag:s8] =	ssyncset.s32 @!p0 $0xFFFFF086;
	s6 =	sadd.s32 @!p0 s3, s7;
	s7 =	simm.s32 @!p0 $0x108  }
0x21: {  	s3 =	sadd.s32 s3, s9;
	s6 =	sadd.s32 @!p0 $0x88, s6;
	s7 =	simm.s32 @p2 $0x1082  }
0x22: {  	[simem:s7], [sflag:s8] =	dma.local @!p0 [hbm:s6], $0xF7A  }
0x23: {  	s9 =	sor.u32 $0xD0000000, s2;
	s6 =	simm.s32 $0x108;
	_ =	swait.ge @!p0 [sflag:s8], $0x0  }
0x24: {  	s3 =	sadd.s32 $0x88, s3;
	s6 =	simm.s32 @!p1 $0x1082;
	[sflag:s4] =	ssyncset.s32 $0xFFFFF086  }
0x25: {  	[simem:s6], [sflag:s4] =	dma.local [hbm:s3], $0xF7A  }
0x26: {  	[smem:$0x3FA0] =	sst s1;
	(tag) =	ssettag s2;
	_ =	strace s9  }
0x27: {  	s1 =	sld [smem:$0x3FB0]  }
0x28: {  	s2 =	sld [smem:$0x3FB1]  }
0x29: {  	s4 =	sld [smem:$0x3FB3]  }
0x2a: {  	p0 =	seq.s32 s5, $0x0;
	s5 =	sld [smem:$0x3FB4]  }
0x2b: {  	s6 =	sld [smem:$0x3FB5]  }
0x2c: {  	s7 =	sld [smem:$0x3FB6]  }
0x2d: {  	s3 =	simm.s32 $0x108;
	s8 =	sld [smem:$0x3FB7]  }
0x2e: {  	s3 =	simm.s32 @!p0 $0x1082;
	s9 =	sld [smem:$0x3FB8]  }
0x2f: {  	lr =	sadd.s32 s0, s3;
	s0 =	sld [smem:$0x3FAF]  }
0x30: {  	s3 =	sld [smem:$0x3FB2]  }
0x31: {  	[smem:$0x3FBB] =	sst s10  }
0x32: {  	s10 =	sld [smem:$0x3FB9];
	_ =	sdelay $0x3  }
0x33: {  	p0 =	seq.s32 s10, $0x1;
	s10 =	sld [smem:$0x3FBB];
	_ =	sdelay $0x3  }
0x34: {  	[smem:$0x3FBB] =	sst s10  }
0x35: {  	s10 =	sld [smem:$0x3FBA];
	_ =	sdelay $0x3  }
0x36: {  	p1 =	seq.s32 s10, $0x1;
	s10 =	sld [smem:$0x3FBB];
	_ =	sdelay $0x3  }
0x37: {  	[smem:$0x3FBB] =	sst s10  }
0x38: {  	s10 =	sld [smem:$0x3FBC]  }
0x39: {  	_ = 	snop;
	(pc) =	sbr.ind lr, $3  }
0x3a: {  	_ = 	snop  }
0x3b: {  	_ = 	snop  }
0x3c: {  	p2 =	seq.s32 s10, $0x1;
	s10 =	sld [smem:$0x3FBB]  }
0x3d: {  	_ =	shalt  }
0x3e: {  	_ =	shalt  }
0x3f: {  	_ =	shalt  }
0x40: {  	_ =	shalt  }
0x41: {  	_ =	shalt  }
0x42: {  	_ =	shalt  }
0x43: {  	_ =	shalt  }
0x44: {  	_ =	shalt  }
0x45: {  	_ =	shalt  }
0x46: {  	_ =	shalt  }
0x47: {  	_ =	shalt  }
0x48: {  	_ =	shalt  }
0x49: {  	_ =	shalt  }
0x4a: {  	_ =	shalt  }
0x4b: {  	_ =	shalt  }
0x4c: {  	_ =	shalt  }
0x4d: {  	_ =	shalt  }
0x4e: {  	_ =	shalt  }
0x4f: {  	_ =	shalt  }
0x50: {  	_ =	shalt  }
0x51: {  	_ =	shalt  }
0x52: {  	_ =	shalt  }
0x53: {  	_ =	shalt  }
0x54: {  	_ =	shalt  }
0x55: {  	_ =	shalt  }
0x56: {  	_ =	shalt  }
0x57: {  	_ =	shalt  }
0x58: {  	_ =	shalt  }
0x59: {  	_ =	shalt  }
0x5a: {  	_ =	shalt  }
0x5b: {  	_ =	shalt  }
0x5c: {  	_ =	shalt  }
0x5d: {  	_ =	shalt  }
0x5e: {  	_ =	shalt  }
0x5f: {  	_ =	shalt  }
0x60: {  	_ =	shalt  }
0x61: {  	_ =	shalt  }
0x62: {  	_ =	shalt  }
0x63: {  	_ =	shalt  }
0x64: {  	_ =	shalt  }
0x65: {  	_ =	shalt  }
0x66: {  	_ =	shalt  }
0x67: {  	_ =	shalt  }
0x68: {  	_ =	shalt  }
0x69: {  	_ =	shalt  }
0x6a: {  	_ =	shalt  }
0x6b: {  	_ =	shalt  }
0x6c: {  	_ =	shalt  }
0x6d: {  	_ =	shalt  }
0x6e: {  	_ =	shalt  }
0x6f: {  	_ =	shalt  }
0x70: {  	_ =	shalt  }
0x71: {  	_ =	shalt  }
0x72: {  	_ =	shalt  }
0x73: {  	_ =	shalt  }
0x74: {  	_ =	shalt  }
0x75: {  	_ =	shalt  }
0x76: {  	_ =	shalt  }
0x77: {  	_ =	shalt  }
0x78: {  	_ =	shalt  }
0x79: {  	_ =	shalt  }
0x7a: {  	_ =	shalt  }
0x7b: {  	_ =	shalt  }
0x7c: {  	_ =	shalt  }
0x7d: {  	_ =	shalt  }
0x7e: {  	_ =	shalt  }
0x7f: {  	_ =	shalt  }
0x80: {  	_ =	shalt  }
0x81: {  	_ =	shalt  }
0x82: {  	_ =	shalt  }
0x83: {  	_ =	shalt  }
0x84: {  	_ =	shalt  }
0x85: {  	_ =	shalt  }
0x86: {  	_ =	shalt  }
0x87: {  	_ =	shalt  }
.Lfunc_end0:
.L_simem_size_0:
called_computation_lowered:
.L_overlay_start_0:
0x88: {  	s2 =	sld [smem:$0x3FD9]  }
0x89: {  	s3 =	sld [smem:$0x3FFE];
	_ =	sdelay $0x1  }
0x8a: {  	s1 =	srdreg.scid  }
0x8b: {  	s0 =	sand.u32 $0x1, s1  }
0x8c: {  	s15 =	sshll.u32 s0, $0xA;
	s2 =	sadd.s32 s3, s2  }
0x8d: {  	s2 =	sadd.s32 s2, s15  }
0x8e: {  	[smem:$0x3FC7] =	sst s2  }
0x8f: {  	_ = 	snop  }
0x90: {  	s2 =	sld [smem:$0x3FD0];
	_ =	sdelay $0x2  }
0x91: {  	s4 =	simm.s32 $0xA;
	s5 =	simm.s32 $0x10;
	s16 =	sld [smem:$0x3FC9]  }
0x92: {  	[smem:s5], [sflag:s4] =	dma.local [hbm:s2], $0x1  }
0x93: {  	_ =	swait.eq [sflag:s4], $0x1  }
0x94: {  	[sflag:s4] =	ssyncset.done $0x0  }
0x95: {  	s17 =	sld [smem:$0x10];
	[sflag:s4] =	ssyncadd.s32 $0xFFFFFFFF  }
0x96: {  	s18 =	sld [smem:$0x12];
	(tm) =	ssettm $0x1  }
0x97: {  	s19 =	sld [smem:$0x3FFB];
	_ =	sdelay $0x3  }
0x98: {  	_ =	strace s19  }
0x99: {  	s5 =	sld [smem:$0x3FFC];
	_ =	sdelay $0x3  }
0x9a: {  	_ =	strace s5  }
0x9b: {  	s5 =	sld [smem:$0x3FFD];
	_ =	sdelay $0x3  }
0x9c: {  	_ =	strace s5  }
0x9d: {  	_ =	strace $0x8FFFFFFF  }
0x9e: {  	s20 =	sld [smem:$0x3FDB];
	_ =	sdelay $0x1  }
0x9f: {  	s6 =	simm.s32 $_scs_section_size  }
0xa0: {  	s7 =	simm.s32 $_size__tile_overlayer_lowered;
	s8 =	simm.s32 $_tile_overlayer_lowered  }
0xa1: {  	s23 =	simm.s32 $0x1BFF;
	s22 =	sshll.u32 s8, $0x1;
	s5 =	sadd.s32 s6, s20  }
0xa2: {  	s9 =	simm.s32 $0x0;
	s21 =	sshll.u32 s7, $0x1;
	s7 =	sadd.s32 s22, s5  }
0xa3: {  	[timem:s9], [sflag:s23] =	dma.local [hbm:s7], s21  }
0xa4: {  	_ =	swait.ge [sflag:s23], s21  }
0xa5: {  	s6 =	ssub.s32 $0x0, s21;
	[sflag:s23] =	ssyncset.done $0x0  }
0xa6: {  	[sflag:s23] =	ssyncadd.s32 s6;
	_ =	sdelay $0x1  }
0xa7: {  	s24 =	simm.s32 $0x1B8B  }
0xa8: {  	_ =	swait.ge [sflag:s24], $0x1  }
0xa9: {  	[sflag:s24] =	ssyncset.done $0x0  }
0xaa: {  	s25 =	simm.s32 $0x1B8E;
	[sflag:s24] =	ssyncadd.s32 $0xFFFFFFFF  }
0xab: {  	s26 =	simm.s32 $execute0_lowered;
	[smem:$0x3FD2] =	sst s25  }
0xac: {  	s6 =	sshll.u32 s26, $0x1;
	_ =	strace $0x80000046;
	[dreg:$0x1] =	wrdreg $0xFFFFFFFF  }
0xad: {  	s28 =	simm.s32 $_size_execute0_lowered;
	s5 =	sadd.s32 s5, s6;
	[dreg:$0x0] =	wrdreg $0x0  }
0xae: {  	s6 =	sshll.u32 s28, $0x1;
	[dreg:$0x2] =	wrdreg s5  }
0xaf: {  	[dreg:$0x3] =	wrdreg s6  }
0xb0: {  	[dreg:$0x4] =	wrdreg $0xC0  }
0xb1: {  	_ =	task [dreg:s9], $0x5FFFF  }
0xb2: {  	[dreg:$0x1] =	wrdreg $0xFFFFFFFF  }
0xb3: {  	[dreg:$0x0] =	wrdreg $0x60  }
0xb4: {  	[dreg:$0x2] =	wrdreg s16  }
0xb5: {  	[dreg:$0x3] =	wrdreg s18  }
0xb6: {  	[dreg:$0x4] =	wrdreg s17  }
0xb7: {  	[dreg:$0x5] =	wrdreg $0x9  }
0xb8: {  	_ =	task.clear_ibuf [dreg:s9], $0x6FFFF;
	_ =	strace $0x90000046  }
0xb9: {  	s29 =	simm.s32 $0x9;
	_ =	strace $0x80000048  }
0xba: {  	_ =	swait.ge [sflag:s29], $0x1  }
0xbb: {  	[sflag:s29] =	ssyncadd.s32 $0xFFFFFFFF  }
0xbc: {  	_ =	strace $0x90000048  }
0xbd: {  	_ =	sfence  }
0xbe: {  	s30 =	sld [smem:$0x0];
	_ =	sdelay $0x2  }
0xbf: {  	s31 =	sshll.u32 s1, $0xD;
	s1 =	sshrl.u32 s1, $0x2  }
0xc0: {  	s3 =	sand.u32 $0x4000, s31;
	s1 =	sadd.s32 s1, s30  }
0xc1: {  	s0 =	sor.u32 s3, s0;
	s1 =	sshll.u32 s1, $0x11  }
0xc2: {  	s0 =	sor.u32 s1, s0  }
0xc3: {  	s0 =	sadd.s32 $0x8F2B, s0  }
0xc4: {  	[sflag:s0] =	ssyncadd.remote.s32 $0x1  }
0xc5: {  	_ =	sfence.sel $0xFFFF  }
0xc6: {  	[dreg:$0x0] =	wrdreg $0xFFFFFFFF;
	(pc) =	sbr.abs _section_cstart, $3  }
0xc7: {  	[dreg:$0x1] =	wrdreg $0xFFFFFFFF  }
0xc8: {  	_ =	task.clear_ibuf [dreg:s9], $0x2FFFF;
	_ =	strace $0x9FFFFFFF  }
0xc9: {  	(tm) =	ssettm $0x7FFFFFFF  }
tec
execute0_lowered:
.L_overlay_start_1:
0x0: {  	(tag) =	ssettag $0x1  }
0x1: {  	s1 =	rddreg [dreg:$0x0]  }
0x2: {  	s0 =	srdreg.scid;
	s2 =	rddreg [dreg:$0x1]  }
0x3: {  	s3 =	stileid.u32;
	s4 =	rddreg [dreg:$0x2]  }
0x4: {  	s30 =	simm.s32 $0x4C00;
	s28 =	simm.s32 $0x9;
	s0 =	sand.u32 $0x1, s0  }
0x5: {  	s29 =	simm.s32 $0x3;
	s3 =	sshll.u32 s3, $0xB;
	s5 =	sshll.u32 s0, $0xA  }
0x6: {  	s31 =	simm.s32 $0xA;
	s0 =	ssub.s32 $0x2, s0;
	s6 =	sor.u32 s5, s3  }
0x7: {  	s3 =	simm.s32 $0x0;
	s10 =	sshrl.u32 s0, $0x1;
	s5 =	sadd.s32 $0x100, s1  }
0x8: {  	s8 =	sshrl.u32 s6, $0x3;
	[smem:$0x7FF] =	sst s3;
	s0 =	ssub.s32 s0, s10  }
0x9: {  	s19 =	sor.u32 $0xF0, s6;
	s6 =	sor.u32 $0x80, s6;
	s7 =	smul.u32 $0x300, s8  }
0xa: {  	_ =	strace $0x80000047;
	s2 =	sadd.s32 s2, s8;
	s12 =	smul.u32 $0x1800, s8  }
0xb: {  	s8 =	sshrl.u32 s19, $0x3;
	s0 =	smax.u32 s0, $0x1;
	[dreg:$0x6] =	wrdreg s2  }
0xc: {  	s6 =	sshrl.u32 s6, $0x3;
	[dreg:$0x17] =	wrdreg s0;
	s9 =	sadd.s32 s4, s7  }
0xd: {  	s19 =	simm.s32 $0x3C00;
	s11 =	sadd.s32 $0x600, s9;
	[dreg:$0x7] =	wrdreg s9  }
0xe: {  	s8 =	smul.u32 $0x300, s8;
	s13 =	sadd.s32 $0xC00, s9;
	[dreg:$0x8] =	wrdreg s11  }
0xf: {  	s6 =	smul.u32 $0x300, s6;
	s14 =	sadd.s32 $0x1200, s9;
	[dreg:$0x9] =	wrdreg s13  }
0x10: {  	s0 =	simm.s32 $0x4;
	s15 =	sadd.s32 $0x1800, s9;
	[dreg:$0xa] =	wrdreg s14  }
0x11: {  	s7 =	sadd.s32 $0x200, s1;
	s16 =	sadd.s32 $0x1E00, s9;
	[dreg:$0xb] =	wrdreg s15  }
0x12: {  	s2 =	sshrl.u32 s12, $0x3;
	s17 =	sadd.s32 $0x2400, s9;
	[dreg:$0xc] =	wrdreg s16  }
0x13: {  	s12 =	simm.s32 $0x6;
	s18 =	sadd.s32 $0x2A00, s9;
	[dreg:$0xd] =	wrdreg s17  }
0x14: {  	s2 =	sadd.s32 s4, s2;
	s8 =	sadd.s32 s8, s4;
	[dreg:$0xe] =	wrdreg s18  }
0x15: {  	s4 =	sadd.s32 s6, s4;
	s9 =	simm.s32 $0xC;
	[dreg:$0x4] =	wrdreg s8  }
0x16: {  	s20 =	sadd.s32 $0x15000, s2;
	s21 =	sadd.s32 $0x15600, s2;
	[dreg:$0x5] =	wrdreg s4  }
0x17: {  	s22 =	sadd.s32 $0x15C00, s2;
	s23 =	sadd.s32 $0x16200, s2;
	[dreg:$0xf] =	wrdreg s20  }
0x18: {  	s24 =	sadd.s32 $0x16800, s2;
	s25 =	sadd.s32 $0x16E00, s2;
	[dreg:$0x10] =	wrdreg s21  }
0x19: {  	s26 =	sadd.s32 $0x17400, s2;
	s2 =	sadd.s32 $0x17A00, s2;
	[dreg:$0x11] =	wrdreg s22  }
0x1a: {  	s11 =	simm.s32 $0x1400;
	s17 =	simm.s32 $0x1C00;
	[dreg:$0x12] =	wrdreg s23  }
0x1b: {  	s4 =	simm.s32 $0xB;
	s8 =	simm.s32 $0x5;
	[dreg:$0x13] =	wrdreg s24  }
0x1c: {  	s13 =	simm.s32 $0xD;
	s14 =	simm.s32 $0x7;
	[dreg:$0x14] =	wrdreg s25  }
0x1d: {  	s15 =	simm.s32 $0xE;
	s16 =	simm.s32 $0x8;
	[dreg:$0x15] =	wrdreg s26  }
0x1e: {  	v2 =	vlaneseq.u32;
	[dreg:$0x16] =	wrdreg s2;
	s22 =	simm.s32 $0xC00;
	s23 =	simm.s32 $0x2400  }
0x1f: {  	vm0 =	vmmov $0xffff;
	v1 =	vshrl.u32 v2, $0x3;
	s24 =	simm.s32 $0x2C00;
	s25 =	simm.s32 $0x4400;
	s26 =	simm.s32 $0x2  }
0x20: {  	v0 =	vand.u32 $0x7, v2;
	v2 =	vor.u32 $0x8, v2;
	v1 =	vmul.u32 $0x8, v1;
	s20 =	simm.s32 $0xF;
	s21 =	simm.s32 $0x10;
	s2 =	simm.s32 $0x0  }
.LBB2_1:
0x21: {  	[dreg:$0x18] =	wrdreg s2  }
0x22: {  	s6 =	rddreg [dreg:$0x6];
	s10 =	simm.s32 $0x11  }
0x23: {  	[tilespmem:s3], [sflag:$0x11] =	stream.linear.gather [hbm4b:s6+s3], $0x400, $0x38;
	[tilespmem:$0x18400] =	vst v63  }
0x24: {  	_ =	swait.ge [sflag:s10], $0x400  }
0x25: {  	[sflag:s10] =	ssyncset.done $0x0  }
0x26: {  	[sflag:s10] =	ssyncadd.s32 $0xFFFFFC00  }
0x27: {  	v3 =	vld [tilespmem:$0x0];
	_ =	sdelay $0x4  }
0x28: {  	v4 =	vshrl.u32 v3, $0x3  }
0x29: {  	v4 =	vmul.u32 $0x30, v4  }
0x2a: {  	v3 =	vand.u32 $0x7, v3  }
0x2b: {  	v3 =	vor.u32 v3, v4  }
0x2c: {  	v4 =	vperm.xlane v3, v0;
	_ =	sdelay $0x1  }
0x2d: {  	v4 =	vadd.s32 v1, v4;
	_ =	sdelay $0x3  }
0x2e: {  	s2 =	simm.s32 $0x400;
	v3 =	vperm.xlane v3, v2  }
0x2f: {  	[tilespmem:s2], [sflag:$0x1] =	stream.indirect_vreg.gather [hbm4b:s1+s3], $0x80, v4, vm0, $0xb8;
	[tilespmem:$0x18400] =	vst v63  }
0x30: {  	v3 =	vadd.s32 v1, v3  }
0x31: {  	[tilespmem:s22], [sflag:$0x1] =	stream.indirect_vreg.gather [hbm4b:s5+s3], $0x80, v4, vm0, $0xb8;
	[tilespmem:$0x18400] =	vst v63  }
0x32: {  	_ = 	snop  }
0x33: {  	[tilespmem:s11], [sflag:$0x1] =	stream.indirect_vreg.gather [hbm4b:s7+s3], $0x80, v4, vm0, $0xb8;
	[tilespmem:$0x18400] =	vst v63  }
0x34: {  	_ = 	snop  }
0x35: {  	[tilespmem:s17], [sflag:$0x1] =	stream.indirect_vreg.gather [hbm4b:s1+s3], $0x80, v3, vm0, $0xb8;
	[tilespmem:$0x18400] =	vst v63  }
0x36: {  	_ = 	snop  }
0x37: {  	[tilespmem:s23], [sflag:$0x1] =	stream.indirect_vreg.gather [hbm4b:s5+s3], $0x80, v3, vm0, $0xb8;
	[tilespmem:$0x18400] =	vst v63  }
0x38: {  	_ = 	snop  }
0x39: {  	[tilespmem:s24], [sflag:$0x1] =	stream.indirect_vreg.gather [hbm4b:s7+s3], $0x80, v3, vm0, $0xb8;
	[tilespmem:$0x18400] =	vst v63  }
0x3a: {  	v3 =	vld [tilespmem:$0x10];
	_ =	sdelay $0x4  }
0x3b: {  	v50 =	vshrl.u32 v3, $0x3  }
0x3c: {  	v4 =	vmul.u32 $0x30, v50  }
0x3d: {  	v3 =	vand.u32 $0x7, v3  }
0x3e: {  	v3 =	vor.u32 v3, v4  }
0x3f: {  	v4 =	vperm.xlane v3, v0;
	_ =	sdelay $0x1  }
0x40: {  	v4 =	vadd.s32 v1, v4;
	_ =	sdelay $0x3  }
0x41: {  	s10 =	simm.s32 $0x3400;
	v3 =	vperm.xlane v3, v2  }
0x42: {  	[tilespmem:s10], [sflag:$0x2] =	stream.indirect_vreg.gather [hbm4b:s1+s3], $0x80, v4, vm0, $0xb8;
	[tilespmem:$0x18400] =	vst v63  }
0x43: {  	v3 =	vadd.s32 v1, v3  }
0x44: {  	[tilespmem:s19], [sflag:$0x2] =	stream.indirect_vreg.gather [hbm4b:s5+s3], $0x80, v4, vm0, $0xb8;
	[tilespmem:$0x18400] =	vst v63  }
0x45: {  	_ = 	snop  }
0x46: {  	[tilespmem:s25], [sflag:$0x2] =	stream.indirect_vreg.gather [hbm4b:s7+s3], $0x80, v4, vm0, $0xb8;
	[tilespmem:$0x18400] =	vst v63  }
0x47: {  	_ = 	snop  }
0x48: {  	[tilespmem:s30], [sflag:$0x2] =	stream.indirect_vreg.gather [hbm4b:s1+s3], $0x80, v3, vm0, $0xb8;
	[tilespmem:$0x18400] =	vst v63  }
0x49: {  	s18 =	simm.s32 $0x5400  }
0x4a: {  	[tilespmem:s18], [sflag:$0x2] =	stream.indirect_vreg.gather [hbm4b:s5+s3], $0x80, v3, vm0, $0xb8;
	[tilespmem:$0x18400] =	vst v63  }
0x4b: {  	s6 =	simm.s32 $0x5C00  }
0x4c: {  	[tilespmem:s6], [sflag:$0x2] =	stream.indirect_vreg.gather [hbm4b:s7+s3], $0x80, v3, vm0, $0xb8;
	[tilespmem:$0x18400] =	vst v63  }
0x4d: {  	v3 =	vld [tilespmem:$0x20];
	_ =	sdelay $0x4  }
0x4e: {  	v51 =	vshrl.u32 v3, $0x3  }
0x4f: {  	v4 =	vmul.u32 $0x30, v51  }
0x50: {  	v3 =	vand.u32 $0x7, v3  }
0x51: {  	v3 =	vor.u32 v3, v4  }
0x52: {  	v4 =	vperm.xlane v3, v0;
	_ =	sdelay $0x1  }
0x53: {  	v4 =	vadd.s32 v1, v4;
	_ =	sdelay $0x3  }
0x54: {  	s6 =	simm.s32 $0x6400;
	v3 =	vperm.xlane v3, v2  }
0x55: {  	[tilespmem:s6], [sflag:$0x3] =	stream.indirect_vreg.gather [hbm4b:s1+s3], $0x80, v4, vm0, $0xb8;
	[tilespmem:$0x18400] =	vst v63  }
0x56: {  	v3 =	vadd.s32 v1, v3;
	s6 =	simm.s32 $0x6C00  }
0x57: {  	[tilespmem:s6], [sflag:$0x3] =	stream.indirect_vreg.gather [hbm4b:s5+s3], $0x80, v4, vm0, $0xb8;
	[tilespmem:$0x18400] =	vst v63  }
0x58: {  	s6 =	simm.s32 $0x7400  }
0x59: {  	[tilespmem:s6], [sflag:$0x3] =	stream.indirect_vreg.gather [hbm4b:s7+s3], $0x80, v4, vm0, $0xb8;
	[tilespmem:$0x18400] =	vst v63  }
0x5a: {  	s6 =	simm.s32 $0x7C00  }
0x5b: {  	[tilespmem:s6], [sflag:$0x3] =	stream.indirect_vreg.gather [hbm4b:s1+s3], $0x80, v3, vm0, $0xb8;
	[tilespmem:$0x18400] =	vst v63  }
0x5c: {  	s6 =	simm.s32 $0x8400  }
0x5d: {  	[tilespmem:s6], [sflag:$0x3] =	stream.indirect_vreg.gather [hbm4b:s5+s3], $0x80, v3, vm0, $0xb8;
	[tilespmem:$0x18400] =	vst v63  }
0x5e: {  	s6 =	simm.s32 $0x8C00  }
0x5f: {  	[tilespmem:s6], [sflag:$0x3] =	stream.indirect_vreg.gather [hbm4b:s7+s3], $0x80, v3, vm0, $0xb8;
	[tilespmem:$0x18400] =	vst v63  }
0x60: {  	v3 =	vld [tilespmem:$0x30];
	_ =	sdelay $0x4  }
0x61: {  	v52 =	vshrl.u32 v3, $0x3  }
0x62: {  	v4 =	vmul.u32 $0x30, v52  }
0x63: {  	v3 =	vand.u32 $0x7, v3  }
0x64: {  	v3 =	vor.u32 v3, v4  }
0x65: {  	v4 =	vperm.xlane v3, v0;
	_ =	sdelay $0x1  }
0x66: {  	v4 =	vadd.s32 v1, v4;
	_ =	sdelay $0x3  }
0x67: {  	s6 =	simm.s32 $0x9400;
	v3 =	vperm.xlane v3, v2  }
0x68: {  	[tilespmem:s6], [sflag:$0x4] =	stream.indirect_vreg.gather [hbm4b:s1+s3], $0x80, v4, vm0, $0xb8;
	[tilespmem:$0x18400] =	vst v63  }
0x69: {  	v3 =	vadd.s32 v1, v3;
	s6 =	simm.s32 $0x9C00  }
0x6a: {  	[tilespmem:s6], [sflag:$0x4] =	stream.indirect_vreg.gather [hbm4b:s5+s3], $0x80, v4, vm0, $0xb8;
	[tilespmem:$0x18400] =	vst v63  }
0x6b: {  	s6 =	simm.s32 $0xA400  }
0x6c: {  	[tilespmem:s6], [sflag:$0x4] =	stream.indirect_vreg.gather [hbm4b:s7+s3], $0x80, v4, vm0, $0xb8;
	[tilespmem:$0x18400] =	vst v63  }
0x6d: {  	s6 =	simm.s32 $0xAC00  }
0x6e: {  	[tilespmem:s6], [sflag:$0x4] =	stream.indirect_vreg.gather [hbm4b:s1+s3], $0x80, v3, vm0, $0xb8;
	[tilespmem:$0x18400] =	vst v63  }
0x6f: {  	s6 =	simm.s32 $0xB400  }
0x70: {  	[tilespmem:s6], [sflag:$0x4] =	stream.indirect_vreg.gather [hbm4b:s5+s3], $0x80, v3, vm0, $0xb8;
	[tilespmem:$0x18400] =	vst v63  }
0x71: {  	s6 =	simm.s32 $0xBC00  }
0x72: {  	[tilespmem:s6], [sflag:$0x4] =	stream.indirect_vreg.gather [hbm4b:s7+s3], $0x80, v3, vm0, $0xb8;
	[tilespmem:$0x18400] =	vst v63  }
0x73: {  	v3 =	vld [tilespmem:$0x40];
	_ =	sdelay $0x4  }
0x74: {  	v53 =	vshrl.u32 v3, $0x3  }
0x75: {  	v4 =	vmul.u32 $0x30, v53  }
0x76: {  	v3 =	vand.u32 $0x7, v3  }
0x77: {  	v3 =	vor.u32 v3, v4  }
0x78: {  	v4 =	vperm.xlane v3, v0;
	_ =	sdelay $0x1  }
0x79: {  	v4 =	vadd.s32 v1, v4;
	_ =	sdelay $0x3  }
0x7a: {  	s6 =	simm.s32 $0xC400;
	v3 =	vperm.xlane v3, v2  }
0x7b: {  	[tilespmem:s6], [sflag:$0x5] =	stream.indirect_vreg.gather [hbm4b:s1+s3], $0x80, v4, vm0, $0xb8;
	[tilespmem:$0x18400] =	vst v63  }
0x7c: {  	v3 =	vadd.s32 v1, v3;
	s6 =	simm.s32 $0xCC00  }
0x7d: {  	[tilespmem:s6], [sflag:$0x5] =	stream.indirect_vreg.gather [hbm4b:s5+s3], $0x80, v4, vm0, $0xb8;
	[tilespmem:$0x18400] =	vst v63  }
0x7e: {  	s6 =	simm.s32 $0xD400  }
0x7f: {  	[tilespmem:s6], [sflag:$0x5] =	stream.indirect_vreg.gather [hbm4b:s7+s3], $0x80, v4, vm0, $0xb8;
	[tilespmem:$0x18400] =	vst v63  }
0x80: {  	s6 =	simm.s32 $0xDC00  }
0x81: {  	[tilespmem:s6], [sflag:$0x5] =	stream.indirect_vreg.gather [hbm4b:s1+s3], $0x80, v3, vm0, $0xb8;
	[tilespmem:$0x18400] =	vst v63  }
0x82: {  	s6 =	simm.s32 $0xE400  }
0x83: {  	[tilespmem:s6], [sflag:$0x5] =	stream.indirect_vreg.gather [hbm4b:s5+s3], $0x80, v3, vm0, $0xb8;
	[tilespmem:$0x18400] =	vst v63  }
0x84: {  	s6 =	simm.s32 $0xEC00  }
0x85: {  	[tilespmem:s6], [sflag:$0x5] =	stream.indirect_vreg.gather [hbm4b:s7+s3], $0x80, v3, vm0, $0xb8;
	[tilespmem:$0x18400] =	vst v63  }
0x86: {  	v3 =	vld [tilespmem:$0x50];
	_ =	sdelay $0x4  }
0x87: {  	v54 =	vshrl.u32 v3, $0x3  }
0x88: {  	v4 =	vmul.u32 $0x30, v54  }
0x89: {  	v3 =	vand.u32 $0x7, v3  }
0x8a: {  	v3 =	vor.u32 v3, v4  }
0x8b: {  	v4 =	vperm.xlane v3, v0;
	_ =	sdelay $0x1  }
0x8c: {  	v4 =	vadd.s32 v1, v4;
	_ =	sdelay $0x3  }
0x8d: {  	s6 =	simm.s32 $0xF400;
	v3 =	vperm.xlane v3, v2  }
0x8e: {  	[tilespmem:s6], [sflag:$0x6] =	stream.indirect_vreg.gather [hbm4b:s1+s3], $0x80, v4, vm0, $0xb8;
	[tilespmem:$0x18400] =	vst v63  }
0x8f: {  	v3 =	vadd.s32 v1, v3;
	s6 =	simm.s32 $0xFC00  }
0x90: {  	[tilespmem:s6], [sflag:$0x6] =	stream.indirect_vreg.gather [hbm4b:s5+s3], $0x80, v4, vm0, $0xb8;
	[tilespmem:$0x18400] =	vst v63  }
0x91: {  	s6 =	simm.s32 $0x10400  }
0x92: {  	[tilespmem:s6], [sflag:$0x6] =	stream.indirect_vreg.gather [hbm4b:s7+s3], $0x80, v4, vm0, $0xb8;
	[tilespmem:$0x18400] =	vst v63  }
0x93: {  	s6 =	simm.s32 $0x10C00  }
0x94: {  	[tilespmem:s6], [sflag:$0x6] =	stream.indirect_vreg.gather [hbm4b:s1+s3], $0x80, v3, vm0, $0xb8;
	[tilespmem:$0x18400] =	vst v63  }
0x95: {  	s6 =	simm.s32 $0x11400  }
0x96: {  	[tilespmem:s6], [sflag:$0x6] =	stream.indirect_vreg.gather [hbm4b:s5+s3], $0x80, v3, vm0, $0xb8;
	[tilespmem:$0x18400] =	vst v63  }
0x97: {  	s6 =	simm.s32 $0x11C00  }
0x98: {  	[tilespmem:s6], [sflag:$0x6] =	stream.indirect_vreg.gather [hbm4b:s7+s3], $0x80, v3, vm0, $0xb8;
	[tilespmem:$0x18400] =	vst v63  }
0x99: {  	v3 =	vld [tilespmem:$0x60];
	_ =	sdelay $0x4  }
0x9a: {  	v55 =	vshrl.u32 v3, $0x3  }
0x9b: {  	v4 =	vmul.u32 $0x30, v55  }
0x9c: {  	v3 =	vand.u32 $0x7, v3  }
0x9d: {  	v3 =	vor.u32 v3, v4  }
0x9e: {  	v4 =	vperm.xlane v3, v0;
	_ =	sdelay $0x1  }
0x9f: {  	v4 =	vadd.s32 v1, v4;
	_ =	sdelay $0x3  }
0xa0: {  	s6 =	simm.s32 $0x12400;
	v3 =	vperm.xlane v3, v2  }
0xa1: {  	[tilespmem:s6], [sflag:$0x7] =	stream.indirect_vreg.gather [hbm4b:s1+s3], $0x80, v4, vm0, $0xb8;
	[tilespmem:$0x18400] =	vst v63  }
0xa2: {  	v3 =	vadd.s32 v1, v3;
	s6 =	simm.s32 $0x12C00  }
0xa3: {  	[tilespmem:s6], [sflag:$0x7] =	stream.indirect_vreg.gather [hbm4b:s5+s3], $0x80, v4, vm0, $0xb8;
	[tilespmem:$0x18400] =	vst v63  }
0xa4: {  	s6 =	simm.s32 $0x13400  }
0xa5: {  	[tilespmem:s6], [sflag:$0x7] =	stream.indirect_vreg.gather [hbm4b:s7+s3], $0x80, v4, vm0, $0xb8;
	[tilespmem:$0x18400] =	vst v63  }
0xa6: {  	s6 =	simm.s32 $0x13C00  }
0xa7: {  	[tilespmem:s6], [sflag:$0x7] =	stream.indirect_vreg.gather [hbm4b:s1+s3], $0x80, v3, vm0, $0xb8;
	[tilespmem:$0x18400] =	vst v63  }
0xa8: {  	s6 =	simm.s32 $0x14400  }
0xa9: {  	[tilespmem:s6], [sflag:$0x7] =	stream.indirect_vreg.gather [hbm4b:s5+s3], $0x80, v3, vm0, $0xb8;
	[tilespmem:$0x18400] =	vst v63  }
0xaa: {  	s6 =	simm.s32 $0x14C00  }
0xab: {  	[tilespmem:s6], [sflag:$0x7] =	stream.indirect_vreg.gather [hbm4b:s7+s3], $0x80, v3, vm0, $0xb8;
	[tilespmem:$0x18400] =	vst v63  }
0xac: {  	s6 =	simm.s32 $0x1  }
0xad: {  	_ =	swait.ge [sflag:s6], $0x3000  }
0xae: {  	[sflag:s6] =	ssyncset.done $0x0  }
0xaf: {  	[sflag:s6] =	ssyncadd.s32 $0xFFFFD000  }
0xb0: {  	v3 =	vld [tilespmem:$0x70];
	_ =	sdelay $0x4  }
0xb1: {  	v56 =	vshrl.u32 v3, $0x3  }
0xb2: {  	v4 =	vmul.u32 $0x30, v56  }
0xb3: {  	v3 =	vand.u32 $0x7, v3  }
0xb4: {  	v3 =	vor.u32 v3, v4  }
0xb5: {  	v4 =	vperm.xlane v3, v0;
	_ =	sdelay $0x1  }
0xb6: {  	v4 =	vadd.s32 v1, v4;
	_ =	sdelay $0x3  }
0xb7: {  	s6 =	simm.s32 $0x15400;
	v3 =	vperm.xlane v3, v2  }
0xb8: {  	[tilespmem:s6], [sflag:$0x8] =	stream.indirect_vreg.gather [hbm4b:s1+s3], $0x80, v4, vm0, $0xb8;
	[tilespmem:$0x18400] =	vst v63  }
0xb9: {  	v3 =	vadd.s32 v1, v3;
	s6 =	simm.s32 $0x15C00  }
0xba: {  	[tilespmem:s6], [sflag:$0x8] =	stream.indirect_vreg.gather [hbm4b:s5+s3], $0x80, v4, vm0, $0xb8;
	[tilespmem:$0x18400] =	vst v63  }
0xbb: {  	s6 =	simm.s32 $0x16400  }
0xbc: {  	[tilespmem:s6], [sflag:$0x8] =	stream.indirect_vreg.gather [hbm4b:s7+s3], $0x80, v4, vm0, $0xb8;
	[tilespmem:$0x18400] =	vst v63  }
0xbd: {  	s6 =	simm.s32 $0x16C00  }
0xbe: {  	[tilespmem:s6], [sflag:$0x8] =	stream.indirect_vreg.gather [hbm4b:s1+s3], $0x80, v3, vm0, $0xb8;
	[tilespmem:$0x18400] =	vst v63  }
0xbf: {  	s6 =	simm.s32 $0x17400  }
0xc0: {  	[tilespmem:s6], [sflag:$0x8] =	stream.indirect_vreg.gather [hbm4b:s5+s3], $0x80, v3, vm0, $0xb8;
	[tilespmem:$0x18400] =	vst v63  }
0xc1: {  	s6 =	simm.s32 $0x17C00  }
0xc2: {  	[tilespmem:s6], [sflag:$0x8] =	stream.indirect_vreg.gather [hbm4b:s7+s3], $0x80, v3, vm0, $0xb8;
	[tilespmem:$0x18400] =	vst v63  }
0xc3: {  	s6 =	rddreg [dreg:$0x7]  }
0xc4: {  	[hbm4b:s6+s3] =	stream.linear.scatter [tilespmem:s2], [sflag:$0x9], $0x3000, $0x38;
	[tilespmem:$0x18400] =	vst v63  }
0xc5: {  	_ =	swait.ge [sflag:s26], $0x3000  }
0xc6: {  	[sflag:s26] =	ssyncset.done $0x0  }
0xc7: {  	[sflag:s26] =	ssyncadd.s32 $0xFFFFD000  }
0xc8: {  	_ =	swait.ge [sflag:s28], $0x3000  }
0xc9: {  	[sflag:s28] =	ssyncset.done $0x0  }
0xca: {  	[sflag:s28] =	ssyncadd.s32 $0xFFFFD000  }
0xcb: {  	v3 =	vld [tilespmem:$0x80];
	_ =	sdelay $0x4  }
0xcc: {  	v57 =	vshrl.u32 v3, $0x3  }
0xcd: {  	v4 =	vmul.u32 $0x30, v57  }
0xce: {  	v3 =	vand.u32 $0x7, v3  }
0xcf: {  	v3 =	vor.u32 v3, v4  }
0xd0: {  	v4 =	vperm.xlane v3, v0;
	_ =	sdelay $0x1  }
0xd1: {  	v4 =	vadd.s32 v1, v4;
	_ =	sdelay $0x3  }
0xd2: {  	v3 =	vperm.xlane v3, v2  }
0xd3: {  	[tilespmem:s2], [sflag:$0x1] =	stream.indirect_vreg.gather [hbm4b:s1+s3], $0x80, v4, vm0, $0xb8;
	[tilespmem:$0x18400] =	vst v63  }
0xd4: {  	v3 =	vadd.s32 v1, v3  }
0xd5: {  	[tilespmem:s22], [sflag:$0x1] =	stream.indirect_vreg.gather [hbm4b:s5+s3], $0x80, v4, vm0, $0xb8;
	[tilespmem:$0x18400] =	vst v63  }
0xd6: {  	_ = 	snop  }
0xd7: {  	[tilespmem:s11], [sflag:$0x1] =	stream.indirect_vreg.gather [hbm4b:s7+s3], $0x80, v4, vm0, $0xb8;
	[tilespmem:$0x18400] =	vst v63  }
0xd8: {  	_ = 	snop  }
0xd9: {  	[tilespmem:s17], [sflag:$0x1] =	stream.indirect_vreg.gather [hbm4b:s1+s3], $0x80, v3, vm0, $0xb8;
	[tilespmem:$0x18400] =	vst v63  }
0xda: {  	_ = 	snop  }
0xdb: {  	[tilespmem:s23], [sflag:$0x1] =	stream.indirect_vreg.gather [hbm4b:s5+s3], $0x80, v3, vm0, $0xb8;
	[tilespmem:$0x18400] =	vst v63  }
0xdc: {  	_ = 	snop  }
0xdd: {  	[tilespmem:s24], [sflag:$0x1] =	stream.indirect_vreg.gather [hbm4b:s7+s3], $0x80, v3, vm0, $0xb8;
	[tilespmem:$0x18400] =	vst v63  }
0xde: {  	s17 =	rddreg [dreg:$0x8]  }
0xdf: {  	[hbm4b:s17+s3] =	stream.linear.scatter [tilespmem:s10], [sflag:$0xA], $0x3000, $0x38;
	[tilespmem:$0x18400] =	vst v63  }
0xe0: {  	_ =	swait.ge [sflag:s29], $0x3000  }
0xe1: {  	[sflag:s29] =	ssyncset.done $0x0  }
0xe2: {  	[sflag:s29] =	ssyncadd.s32 $0xFFFFD000  }
0xe3: {  	_ =	swait.ge [sflag:s31], $0x3000  }
0xe4: {  	[sflag:s31] =	ssyncset.done $0x0  }
0xe5: {  	[sflag:s31] =	ssyncadd.s32 $0xFFFFD000  }
0xe6: {  	v3 =	vld [tilespmem:$0x90];
	_ =	sdelay $0x4  }
0xe7: {  	v58 =	vshrl.u32 v3, $0x3  }
0xe8: {  	v4 =	vmul.u32 $0x30, v58  }
0xe9: {  	v3 =	vand.u32 $0x7, v3  }
0xea: {  	v3 =	vor.u32 v3, v4  }
0xeb: {  	v4 =	vperm.xlane v3, v0;
	_ =	sdelay $0x1  }
0xec: {  	v4 =	vadd.s32 v1, v4;
	_ =	sdelay $0x3  }
0xed: {  	v3 =	vperm.xlane v3, v2  }
0xee: {  	[tilespmem:s10], [sflag:$0x2] =	stream.indirect_vreg.gather [hbm4b:s1+s3], $0x80, v4, vm0, $0xb8;
	[tilespmem:$0x18400] =	vst v63  }
0xef: {  	v3 =	vadd.s32 v1, v3  }
0xf0: {  	[tilespmem:s19], [sflag:$0x2] =	stream.indirect_vreg.gather [hbm4b:s5+s3], $0x80, v4, vm0, $0xb8;
	[tilespmem:$0x18400] =	vst v63  }
0xf1: {  	_ = 	snop  }
0xf2: {  	[tilespmem:s25], [sflag:$0x2] =	stream.indirect_vreg.gather [hbm4b:s7+s3], $0x80, v4, vm0, $0xb8;
	[tilespmem:$0x18400] =	vst v63  }
0xf3: {  	_ = 	snop  }
0xf4: {  	[tilespmem:s30], [sflag:$0x2] =	stream.indirect_vreg.gather [hbm4b:s1+s3], $0x80, v3, vm0, $0xb8;
	[tilespmem:$0x18400] =	vst v63  }
0xf5: {  	_ = 	snop  }
0xf6: {  	[tilespmem:s18], [sflag:$0x2] =	stream.indirect_vreg.gather [hbm4b:s5+s3], $0x80, v3, vm0, $0xb8;
	[tilespmem:$0x18400] =	vst v63  }
0xf7: {  	s19 =	simm.s32 $0x5C00  }
0xf8: {  	[tilespmem:s19], [sflag:$0x2] =	stream.indirect_vreg.gather [hbm4b:s7+s3], $0x80, v3, vm0, $0xb8;
	[tilespmem:$0x18400] =	vst v63  }
0xf9: {  	s23 =	simm.s32 $0x6400;
	s22 =	rddreg [dreg:$0x9]  }
0xfa: {  	[hbm4b:s22+s3] =	stream.linear.scatter [tilespmem:s23], [sflag:$0xB], $0x3000, $0x38;
	[tilespmem:$0x18400] =	vst v63  }
0xfb: {  	_ =	swait.ge [sflag:s0], $0x3000  }
0xfc: {  	[sflag:s0] =	ssyncset.done $0x0  }
0xfd: {  	[sflag:s0] =	ssyncadd.s32 $0xFFFFD000  }
0xfe: {  	_ =	swait.ge [sflag:s4], $0x3000  }
0xff: {  	[sflag:s4] =	ssyncset.done $0x0  }
0x100: {  	[sflag:s4] =	ssyncadd.s32 $0xFFFFD000  }
0x101: {  	v3 =	vld [tilespmem:$0xA0];
	_ =	sdelay $0x4  }
0x102: {  	v59 =	vshrl.u32 v3, $0x3  }
0x103: {  	v4 =	vmul.u32 $0x30, v59  }
0x104: {  	v3 =	vand.u32 $0x7, v3  }
0x105: {  	v3 =	vor.u32 v3, v4  }
0x106: {  	v4 =	vperm.xlane v3, v0;
	_ =	sdelay $0x1  }
0x107: {  	v4 =	vadd.s32 v1, v4;
	_ =	sdelay $0x3  }
0x108: {  	v3 =	vperm.xlane v3, v2  }
0x109: {  	[tilespmem:s23], [sflag:$0x3] =	stream.indirect_vreg.gather [hbm4b:s1+s3], $0x80, v4, vm0, $0xb8;
	[tilespmem:$0x18400] =	vst v63  }
0x10a: {  	s24 =	simm.s32 $0x6C00;
	v3 =	vadd.s32 v1, v3  }
0x10b: {  	[tilespmem:s24], [sflag:$0x3] =	stream.indirect_vreg.gather [hbm4b:s5+s3], $0x80, v4, vm0, $0xb8;
	[tilespmem:$0x18400] =	vst v63  }
0x10c: {  	s25 =	simm.s32 $0x7400  }
0x10d: {  	[tilespmem:s25], [sflag:$0x3] =	stream.indirect_vreg.gather [hbm4b:s7+s3], $0x80, v4, vm0, $0xb8;
	[tilespmem:$0x18400] =	vst v63  }
0x10e: {  	s30 =	simm.s32 $0x7C00  }
0x10f: {  	[tilespmem:s30], [sflag:$0x3] =	stream.indirect_vreg.gather [hbm4b:s1+s3], $0x80, v3, vm0, $0xb8;
	[tilespmem:$0x18400] =	vst v63  }
0x110: {  	s6 =	simm.s32 $0x8400  }
0x111: {  	[tilespmem:s6], [sflag:$0x3] =	stream.indirect_vreg.gather [hbm4b:s5+s3], $0x80, v3, vm0, $0xb8;
	[tilespmem:$0x18400] =	vst v63  }
0x112: {  	s10 =	simm.s32 $0x8C00  }
0x113: {  	[tilespmem:s10], [sflag:$0x3] =	stream.indirect_vreg.gather [hbm4b:s7+s3], $0x80, v3, vm0, $0xb8;
	[tilespmem:$0x18400] =	vst v63  }
0x114: {  	s17 =	simm.s32 $0x9400;
	s11 =	rddreg [dreg:$0xa]  }
0x115: {  	[hbm4b:s11+s3] =	stream.linear.scatter [tilespmem:s17], [sflag:$0xC], $0x3000, $0x38;
	[tilespmem:$0x18400] =	vst v63  }
0x116: {  	_ =	swait.ge [sflag:s8], $0x3000  }
0x117: {  	[sflag:s8] =	ssyncset.done $0x0  }
0x118: {  	[sflag:s8] =	ssyncadd.s32 $0xFFFFD000  }
0x119: {  	_ =	swait.ge [sflag:s9], $0x3000  }
0x11a: {  	[sflag:s9] =	ssyncset.done $0x0  }
0x11b: {  	[sflag:s9] =	ssyncadd.s32 $0xFFFFD000  }
0x11c: {  	v3 =	vld [tilespmem:$0xB0];
	_ =	sdelay $0x4  }
0x11d: {  	v60 =	vshrl.u32 v3, $0x3  }
0x11e: {  	v4 =	vmul.u32 $0x30, v60  }
0x11f: {  	v3 =	vand.u32 $0x7, v3  }
0x120: {  	v3 =	vor.u32 v3, v4  }
0x121: {  	v4 =	vperm.xlane v3, v0;
	_ =	sdelay $0x1  }
0x122: {  	v4 =	vadd.s32 v1, v4;
	_ =	sdelay $0x3  }
0x123: {  	v3 =	vperm.xlane v3, v2  }
0x124: {  	[tilespmem:s17], [sflag:$0x4] =	stream.indirect_vreg.gather [hbm4b:s1+s3], $0x80, v4, vm0, $0xb8;
	[tilespmem:$0x18400] =	vst v63  }
0x125: {  	s18 =	simm.s32 $0x9C00;
	v3 =	vadd.s32 v1, v3  }
0x126: {  	[tilespmem:s18], [sflag:$0x4] =	stream.indirect_vreg.gather [hbm4b:s5+s3], $0x80, v4, vm0, $0xb8;
	[tilespmem:$0x18400] =	vst v63  }
0x127: {  	s19 =	simm.s32 $0xA400  }
0x128: {  	[tilespmem:s19], [sflag:$0x4] =	stream.indirect_vreg.gather [hbm4b:s7+s3], $0x80, v4, vm0, $0xb8;
	[tilespmem:$0x18400] =	vst v63  }
0x129: {  	s22 =	simm.s32 $0xAC00  }
0x12a: {  	[tilespmem:s22], [sflag:$0x4] =	stream.indirect_vreg.gather [hbm4b:s1+s3], $0x80, v3, vm0, $0xb8;
	[tilespmem:$0x18400] =	vst v63  }
0x12b: {  	s23 =	simm.s32 $0xB400  }
0x12c: {  	[tilespmem:s23], [sflag:$0x4] =	stream.indirect_vreg.gather [hbm4b:s5+s3], $0x80, v3, vm0, $0xb8;
	[tilespmem:$0x18400] =	vst v63  }
0x12d: {  	s24 =	simm.s32 $0xBC00  }
0x12e: {  	[tilespmem:s24], [sflag:$0x4] =	stream.indirect_vreg.gather [hbm4b:s7+s3], $0x80, v3, vm0, $0xb8;
	[tilespmem:$0x18400] =	vst v63  }
0x12f: {  	s30 =	simm.s32 $0xC400;
	s25 =	rddreg [dreg:$0xb]  }
0x130: {  	[hbm4b:s25+s3] =	stream.linear.scatter [tilespmem:s30], [sflag:$0xD], $0x3000, $0x38;
	[tilespmem:$0x18400] =	vst v63  }
0x131: {  	_ =	swait.ge [sflag:s12], $0x3000  }
0x132: {  	[sflag:s12] =	ssyncset.done $0x0  }
0x133: {  	[sflag:s12] =	ssyncadd.s32 $0xFFFFD000  }
0x134: {  	_ =	swait.ge [sflag:s13], $0x3000  }
0x135: {  	[sflag:s13] =	ssyncset.done $0x0  }
0x136: {  	[sflag:s13] =	ssyncadd.s32 $0xFFFFD000  }
0x137: {  	v3 =	vld [tilespmem:$0xC0];
	_ =	sdelay $0x4  }
0x138: {  	v61 =	vshrl.u32 v3, $0x3  }
0x139: {  	v4 =	vmul.u32 $0x30, v61  }
0x13a: {  	v3 =	vand.u32 $0x7, v3  }
0x13b: {  	v3 =	vor.u32 v3, v4  }
0x13c: {  	v4 =	vperm.xlane v3, v0;
	_ =	sdelay $0x1  }
0x13d: {  	v4 =	vadd.s32 v1, v4;
	_ =	sdelay $0x3  }
0x13e: {  	v3 =	vperm.xlane v3, v2  }
0x13f: {  	[tilespmem:s30], [sflag:$0x5] =	stream.indirect_vreg.gather [hbm4b:s1+s3], $0x80, v4, vm0, $0xb8;
	[tilespmem:$0x18400] =	vst v63  }
0x140: {  	s10 =	simm.s32 $0xCC00;
	v3 =	vadd.s32 v1, v3  }
0x141: {  	[tilespmem:s10], [sflag:$0x5] =	stream.indirect_vreg.gather [hbm4b:s5+s3], $0x80, v4, vm0, $0xb8;
	[tilespmem:$0x18400] =	vst v63  }
0x142: {  	s11 =	simm.s32 $0xD400  }
0x143: {  	[tilespmem:s11], [sflag:$0x5] =	stream.indirect_vreg.gather [hbm4b:s7+s3], $0x80, v4, vm0, $0xb8;
	[tilespmem:$0x18400] =	vst v63  }
0x144: {  	s17 =	simm.s32 $0xDC00  }
0x145: {  	[tilespmem:s17], [sflag:$0x5] =	stream.indirect_vreg.gather [hbm4b:s1+s3], $0x80, v3, vm0, $0xb8;
	[tilespmem:$0x18400] =	vst v63  }
0x146: {  	s18 =	simm.s32 $0xE400  }
0x147: {  	[tilespmem:s18], [sflag:$0x5] =	stream.indirect_vreg.gather [hbm4b:s5+s3], $0x80, v3, vm0, $0xb8;
	[tilespmem:$0x18400] =	vst v63  }
0x148: {  	s19 =	simm.s32 $0xEC00  }
0x149: {  	[tilespmem:s19], [sflag:$0x5] =	stream.indirect_vreg.gather [hbm4b:s7+s3], $0x80, v3, vm0, $0xb8;
	[tilespmem:$0x18400] =	vst v63  }
0x14a: {  	s23 =	simm.s32 $0xF400;
	s22 =	rddreg [dreg:$0xc]  }
0x14b: {  	[hbm4b:s22+s3] =	stream.linear.scatter [tilespmem:s23], [sflag:$0xE], $0x3000, $0x38;
	[tilespmem:$0x18400] =	vst v63  }
0x14c: {  	_ =	swait.ge [sflag:s14], $0x3000  }
0x14d: {  	[sflag:s14] =	ssyncset.done $0x0  }
0x14e: {  	[sflag:s14] =	ssyncadd.s32 $0xFFFFD000  }
0x14f: {  	_ =	swait.ge [sflag:s15], $0x3000  }
0x150: {  	[sflag:s15] =	ssyncset.done $0x0  }
0x151: {  	[sflag:s15] =	ssyncadd.s32 $0xFFFFD000  }
0x152: {  	v3 =	vld [tilespmem:$0xD0];
	_ =	sdelay $0x4  }
0x153: {  	v62 =	vshrl.u32 v3, $0x3  }
0x154: {  	v4 =	vmul.u32 $0x30, v62  }
0x155: {  	v3 =	vand.u32 $0x7, v3  }
0x156: {  	v3 =	vor.u32 v3, v4  }
0x157: {  	v4 =	vperm.xlane v3, v0;
	_ =	sdelay $0x1  }
0x158: {  	v4 =	vadd.s32 v1, v4;
	_ =	sdelay $0x3  }
0x159: {  	v3 =	vperm.xlane v3, v2  }
0x15a: {  	[tilespmem:s23], [sflag:$0x6] =	stream.indirect_vreg.gather [hbm4b:s1+s3], $0x80, v4, vm0, $0xb8;
	[tilespmem:$0x18400] =	vst v63  }
0x15b: {  	s24 =	simm.s32 $0xFC00;
	v3 =	vadd.s32 v1, v3  }
0x15c: {  	[tilespmem:s24], [sflag:$0x6] =	stream.indirect_vreg.gather [hbm4b:s5+s3], $0x80, v4, vm0, $0xb8;
	[tilespmem:$0x18400] =	vst v63  }
0x15d: {  	s25 =	simm.s32 $0x10400  }
0x15e: {  	[tilespmem:s25], [sflag:$0x6] =	stream.indirect_vreg.gather [hbm4b:s7+s3], $0x80, v4, vm0, $0xb8;
	[tilespmem:$0x18400] =	vst v63  }
0x15f: {  	s30 =	simm.s32 $0x10C00  }
0x160: {  	[tilespmem:s30], [sflag:$0x6] =	stream.indirect_vreg.gather [hbm4b:s1+s3], $0x80, v3, vm0, $0xb8;
	[tilespmem:$0x18400] =	vst v63  }
0x161: {  	s6 =	simm.s32 $0x11400  }
0x162: {  	[tilespmem:s6], [sflag:$0x6] =	stream.indirect_vreg.gather [hbm4b:s5+s3], $0x80, v3, vm0, $0xb8;
	[tilespmem:$0x18400] =	vst v63  }
0x163: {  	s10 =	simm.s32 $0x11C00  }
0x164: {  	[tilespmem:s10], [sflag:$0x6] =	stream.indirect_vreg.gather [hbm4b:s7+s3], $0x80, v3, vm0, $0xb8;
	[tilespmem:$0x18400] =	vst v63  }
0x165: {  	s17 =	simm.s32 $0x12400;
	s11 =	rddreg [dreg:$0xd]  }
0x166: {  	[hbm4b:s11+s3] =	stream.linear.scatter [tilespmem:s17], [sflag:$0xF], $0x3000, $0x38;
	[tilespmem:$0x18400] =	vst v63  }
0x167: {  	_ =	swait.ge [sflag:s16], $0x3000  }
0x168: {  	[sflag:s16] =	ssyncset.done $0x0  }
0x169: {  	[sflag:s16] =	ssyncadd.s32 $0xFFFFD000  }
0x16a: {  	_ =	swait.ge [sflag:s20], $0x3000  }
0x16b: {  	[sflag:s20] =	ssyncset.done $0x0  }
0x16c: {  	[sflag:s20] =	ssyncadd.s32 $0xFFFFD000  }
0x16d: {  	v3 =	vld [tilespmem:$0xE0];
	_ =	sdelay $0x4  }
0x16e: {  	v63 =	vshrl.u32 v3, $0x3  }
0x16f: {  	v4 =	vmul.u32 $0x30, v63  }
0x170: {  	v3 =	vand.u32 $0x7, v3  }
0x171: {  	v3 =	vor.u32 v3, v4  }
0x172: {  	v4 =	vperm.xlane v3, v0;
	_ =	sdelay $0x1  }
0x173: {  	v4 =	vadd.s32 v1, v4;
	_ =	sdelay $0x3  }
0x174: {  	v3 =	vperm.xlane v3, v2  }
0x175: {  	[tilespmem:s17], [sflag:$0x7] =	stream.indirect_vreg.gather [hbm4b:s1+s3], $0x80, v4, vm0, $0xb8;
	[tilespmem:$0x18400] =	vst v63  }
0x176: {  	s18 =	simm.s32 $0x12C00;
	v3 =	vadd.s32 v1, v3  }
0x177: {  	[tilespmem:s18], [sflag:$0x7] =	stream.indirect_vreg.gather [hbm4b:s5+s3], $0x80, v4, vm0, $0xb8;
	[tilespmem:$0x18400] =	vst v63  }
0x178: {  	s19 =	simm.s32 $0x13400  }
0x179: {  	[tilespmem:s19], [sflag:$0x7] =	stream.indirect_vreg.gather [hbm4b:s7+s3], $0x80, v4, vm0, $0xb8;
	[tilespmem:$0x18400] =	vst v63  }
0x17a: {  	s22 =	simm.s32 $0x13C00  }
0x17b: {  	[tilespmem:s22], [sflag:$0x7] =	stream.indirect_vreg.gather [hbm4b:s1+s3], $0x80, v3, vm0, $0xb8;
	[tilespmem:$0x18400] =	vst v63  }
0x17c: {  	s23 =	simm.s32 $0x14400  }
0x17d: {  	[tilespmem:s23], [sflag:$0x7] =	stream.indirect_vreg.gather [hbm4b:s5+s3], $0x80, v3, vm0, $0xb8;
	[tilespmem:$0x18400] =	vst v63  }
0x17e: {  	s24 =	simm.s32 $0x14C00;
	s30 =	simm.s32 $0x15400  }
0x17f: {  	[tilespmem:s24], [sflag:$0x7] =	stream.indirect_vreg.gather [hbm4b:s7+s3], $0x80, v3, vm0, $0xb8;
	[tilespmem:$0x18400] =	vst v63  }
0x180: {  	s6 =	simm.s32 $0x0;
	s25 =	rddreg [dreg:$0xe];
	s22 =	simm.s32 $0x160  }
0x181: {  	[hbm4b:s25+s3] =	stream.linear.scatter [tilespmem:s30], [sflag:$0x10], $0x3000, $0x38;
	[tilespmem:$0x18400] =	vst v63  }
.LBB2_2:
0x182: {  	s2 =	simm.s32 $0x1  }
0x183: {  	_ =	swait.ge [sflag:s2], $0x3000  }
0x184: {  	[sflag:s2] =	ssyncset.done $0x0  }
0x185: {  	[sflag:s2] =	ssyncadd.s32 $0xFFFFD000  }
0x186: {  	_ =	swait.ge [sflag:s21], $0x3000  }
0x187: {  	[sflag:s21] =	ssyncset.done $0x0  }
0x188: {  	[sflag:s21] =	ssyncadd.s32 $0xFFFFD000  }
0x189: {  	v3 =	vld [tilespmem:s22+$0xFFFFFF90];
	_ =	sdelay $0x4  }
0x18a: {  	v4 =	vshrl.u32 v3, $0x3  }
0x18b: {  	v4 =	vmul.u32 $0x30, v4  }
0x18c: {  	v3 =	vand.u32 $0x7, v3  }
0x18d: {  	v3 =	vor.u32 v3, v4  }
0x18e: {  	v4 =	vperm.xlane v3, v0;
	_ =	sdelay $0x1  }
0x18f: {  	v4 =	vadd.s32 v1, v4;
	_ =	sdelay $0x3  }
0x190: {  	s18 =	simm.s32 $0x15400;
	v3 =	vperm.xlane v3, v2  }
0x191: {  	[tilespmem:s18], [sflag:$0x8] =	stream.indirect_vreg.gather [hbm4b:s1+s3], $0x80, v4, vm0, $0xb8;
	[tilespmem:$0x18400] =	vst v63  }
0x192: {  	s10 =	simm.s32 $0x15C00;
	v3 =	vadd.s32 v1, v3  }
0x193: {  	[tilespmem:s10], [sflag:$0x8] =	stream.indirect_vreg.gather [hbm4b:s5+s3], $0x80, v4, vm0, $0xb8;
	[tilespmem:$0x18400] =	vst v63  }
0x194: {  	s11 =	simm.s32 $0x16400  }
0x195: {  	[tilespmem:s11], [sflag:$0x8] =	stream.indirect_vreg.gather [hbm4b:s7+s3], $0x80, v4, vm0, $0xb8;
	[tilespmem:$0x18400] =	vst v63  }
0x196: {  	s17 =	simm.s32 $0x16C00  }
0x197: {  	[tilespmem:s17], [sflag:$0x8] =	stream.indirect_vreg.gather [hbm4b:s1+s3], $0x80, v3, vm0, $0xb8;
	[tilespmem:$0x18400] =	vst v63  }
0x198: {  	s19 =	simm.s32 $0x17400  }
0x199: {  	[tilespmem:s19], [sflag:$0x8] =	stream.indirect_vreg.gather [hbm4b:s5+s3], $0x80, v3, vm0, $0xb8;
	[tilespmem:$0x18400] =	vst v63  }
0x19a: {  	s23 =	simm.s32 $0x17C00;
	s24 =	rddreg [dreg:$0x5]  }
0x19b: {  	[tilespmem:s23], [sflag:$0x8] =	stream.indirect_vreg.gather [hbm4b:s7+s3], $0x80, v3, vm0, $0xb8;
	[tilespmem:$0x18400] =	vst v63  }
0x19c: {  	s25 =	simm.s32 $0x400;
	s24 =	sadd.s32 s6, s24  }
0x19d: {  	[hbm4b:s24+s3] =	stream.linear.scatter [tilespmem:s25], [sflag:$0x9], $0x3000, $0x38;
	[tilespmem:$0x18400] =	vst v63  }
0x19e: {  	_ =	swait.ge [sflag:s26], $0x3000  }
0x19f: {  	[sflag:s26] =	ssyncset.done $0x0  }
0x1a0: {  	[sflag:s26] =	ssyncadd.s32 $0xFFFFD000  }
0x1a1: {  	_ =	swait.ge [sflag:s28], $0x3000  }
0x1a2: {  	[sflag:s28] =	ssyncset.done $0x0  }
0x1a3: {  	[sflag:s28] =	ssyncadd.s32 $0xFFFFD000  }
0x1a4: {  	v3 =	vld [tilespmem:s22+$0xFFFFFFA0];
	_ =	sdelay $0x4  }
0x1a5: {  	v57 =	vshrl.u32 v3, $0x3  }
0x1a6: {  	v4 =	vmul.u32 $0x30, v57  }
0x1a7: {  	v3 =	vand.u32 $0x7, v3  }
0x1a8: {  	v3 =	vor.u32 v3, v4  }
0x1a9: {  	v4 =	vperm.xlane v3, v0;
	_ =	sdelay $0x1  }
0x1aa: {  	v4 =	vadd.s32 v1, v4;
	_ =	sdelay $0x3  }
0x1ab: {  	v3 =	vperm.xlane v3, v2  }
0x1ac: {  	[tilespmem:s25], [sflag:$0x1] =	stream.indirect_vreg.gather [hbm4b:s1+s3], $0x80, v4, vm0, $0xb8;
	[tilespmem:$0x18400] =	vst v63  }
0x1ad: {  	s10 =	simm.s32 $0xC00;
	v3 =	vadd.s32 v1, v3  }
0x1ae: {  	[tilespmem:s10], [sflag:$0x1] =	stream.indirect_vreg.gather [hbm4b:s5+s3], $0x80, v4, vm0, $0xb8;
	[tilespmem:$0x18400] =	vst v63  }
0x1af: {  	s25 =	simm.s32 $0x1400  }
0x1b0: {  	[tilespmem:s25], [sflag:$0x1] =	stream.indirect_vreg.gather [hbm4b:s7+s3], $0x80, v4, vm0, $0xb8;
	[tilespmem:$0x18400] =	vst v63  }
0x1b1: {  	s11 =	simm.s32 $0x1C00  }
0x1b2: {  	[tilespmem:s11], [sflag:$0x1] =	stream.indirect_vreg.gather [hbm4b:s1+s3], $0x80, v3, vm0, $0xb8;
	[tilespmem:$0x18400] =	vst v63  }
0x1b3: {  	s17 =	simm.s32 $0x2400  }
0x1b4: {  	[tilespmem:s17], [sflag:$0x1] =	stream.indirect_vreg.gather [hbm4b:s5+s3], $0x80, v3, vm0, $0xb8;
	[tilespmem:$0x18400] =	vst v63  }
0x1b5: {  	s19 =	simm.s32 $0x2C00  }
0x1b6: {  	[tilespmem:s19], [sflag:$0x1] =	stream.indirect_vreg.gather [hbm4b:s7+s3], $0x80, v3, vm0, $0xb8;
	[tilespmem:$0x18400] =	vst v63  }
0x1b7: {  	s23 =	sadd.s32 $0x600, s24;
	s17 =	simm.s32 $0x3400  }
0x1b8: {  	[hbm4b:s23+s3] =	stream.linear.scatter [tilespmem:s17], [sflag:$0xA], $0x3000, $0x38;
	[tilespmem:$0x18400] =	vst v63  }
0x1b9: {  	_ =	swait.ge [sflag:s29], $0x3000  }
0x1ba: {  	[sflag:s29] =	ssyncset.done $0x0  }
0x1bb: {  	[sflag:s29] =	ssyncadd.s32 $0xFFFFD000  }
0x1bc: {  	_ =	swait.ge [sflag:s31], $0x3000  }
0x1bd: {  	[sflag:s31] =	ssyncset.done $0x0  }
0x1be: {  	[sflag:s31] =	ssyncadd.s32 $0xFFFFD000  }
0x1bf: {  	v3 =	vld [tilespmem:s22+$0xFFFFFFB0];
	_ =	sdelay $0x4  }
0x1c0: {  	v58 =	vshrl.u32 v3, $0x3  }
0x1c1: {  	v4 =	vmul.u32 $0x30, v58  }
0x1c2: {  	v3 =	vand.u32 $0x7, v3  }
0x1c3: {  	v3 =	vor.u32 v3, v4  }
0x1c4: {  	v4 =	vperm.xlane v3, v0;
	_ =	sdelay $0x1  }
0x1c5: {  	v4 =	vadd.s32 v1, v4;
	_ =	sdelay $0x3  }
0x1c6: {  	v3 =	vperm.xlane v3, v2  }
0x1c7: {  	[tilespmem:s17], [sflag:$0x2] =	stream.indirect_vreg.gather [hbm4b:s1+s3], $0x80, v4, vm0, $0xb8;
	[tilespmem:$0x18400] =	vst v63  }
0x1c8: {  	s25 =	simm.s32 $0x3C00;
	v3 =	vadd.s32 v1, v3  }
0x1c9: {  	[tilespmem:s25], [sflag:$0x2] =	stream.indirect_vreg.gather [hbm4b:s5+s3], $0x80, v4, vm0, $0xb8;
	[tilespmem:$0x18400] =	vst v63  }
0x1ca: {  	s11 =	simm.s32 $0x4400  }
0x1cb: {  	[tilespmem:s11], [sflag:$0x2] =	stream.indirect_vreg.gather [hbm4b:s7+s3], $0x80, v4, vm0, $0xb8;
	[tilespmem:$0x18400] =	vst v63  }
0x1cc: {  	s17 =	simm.s32 $0x4C00  }
0x1cd: {  	[tilespmem:s17], [sflag:$0x2] =	stream.indirect_vreg.gather [hbm4b:s1+s3], $0x80, v3, vm0, $0xb8;
	[tilespmem:$0x18400] =	vst v63  }
0x1ce: {  	s23 =	simm.s32 $0x5400  }
0x1cf: {  	[tilespmem:s23], [sflag:$0x2] =	stream.indirect_vreg.gather [hbm4b:s5+s3], $0x80, v3, vm0, $0xb8;
	[tilespmem:$0x18400] =	vst v63  }
0x1d0: {  	s25 =	simm.s32 $0x5C00  }
0x1d1: {  	[tilespmem:s25], [sflag:$0x2] =	stream.indirect_vreg.gather [hbm4b:s7+s3], $0x80, v3, vm0, $0xb8;
	[tilespmem:$0x18400] =	vst v63  }
0x1d2: {  	s10 =	sadd.s32 $0xC00, s24;
	s11 =	simm.s32 $0x6400  }
0x1d3: {  	[hbm4b:s10+s3] =	stream.linear.scatter [tilespmem:s11], [sflag:$0xB], $0x3000, $0x38;
	[tilespmem:$0x18400] =	vst v63  }
0x1d4: {  	_ =	swait.ge [sflag:s0], $0x3000  }
0x1d5: {  	[sflag:s0] =	ssyncset.done $0x0  }
0x1d6: {  	[sflag:s0] =	ssyncadd.s32 $0xFFFFD000  }
0x1d7: {  	_ =	swait.ge [sflag:s4], $0x3000  }
0x1d8: {  	[sflag:s4] =	ssyncset.done $0x0  }
0x1d9: {  	[sflag:s4] =	ssyncadd.s32 $0xFFFFD000  }
0x1da: {  	v3 =	vld [tilespmem:s22+$0xFFFFFFC0];
	_ =	sdelay $0x4  }
0x1db: {  	v59 =	vshrl.u32 v3, $0x3  }
0x1dc: {  	v4 =	vmul.u32 $0x30, v59  }
0x1dd: {  	v3 =	vand.u32 $0x7, v3  }
0x1de: {  	v3 =	vor.u32 v3, v4  }
0x1df: {  	v4 =	vperm.xlane v3, v0;
	_ =	sdelay $0x1  }
0x1e0: {  	v4 =	vadd.s32 v1, v4;
	_ =	sdelay $0x3  }
0x1e1: {  	v3 =	vperm.xlane v3, v2  }
0x1e2: {  	[tilespmem:s11], [sflag:$0x3] =	stream.indirect_vreg.gather [hbm4b:s1+s3], $0x80, v4, vm0, $0xb8;
	[tilespmem:$0x18400] =	vst v63  }
0x1e3: {  	s23 =	simm.s32 $0x6C00;
	v3 =	vadd.s32 v1, v3  }
0x1e4: {  	[tilespmem:s23], [sflag:$0x3] =	stream.indirect_vreg.gather [hbm4b:s5+s3], $0x80, v4, vm0, $0xb8;
	[tilespmem:$0x18400] =	vst v63  }
0x1e5: {  	s25 =	simm.s32 $0x7400  }
0x1e6: {  	[tilespmem:s25], [sflag:$0x3] =	stream.indirect_vreg.gather [hbm4b:s7+s3], $0x80, v4, vm0, $0xb8;
	[tilespmem:$0x18400] =	vst v63  }
0x1e7: {  	s11 =	simm.s32 $0x7C00  }
0x1e8: {  	[tilespmem:s11], [sflag:$0x3] =	stream.indirect_vreg.gather [hbm4b:s1+s3], $0x80, v3, vm0, $0xb8;
	[tilespmem:$0x18400] =	vst v63  }
0x1e9: {  	s23 =	simm.s32 $0x8400  }
0x1ea: {  	[tilespmem:s23], [sflag:$0x3] =	stream.indirect_vreg.gather [hbm4b:s5+s3], $0x80, v3, vm0, $0xb8;
	[tilespmem:$0x18400] =	vst v63  }
0x1eb: {  	s25 =	simm.s32 $0x8C00  }
0x1ec: {  	[tilespmem:s25], [sflag:$0x3] =	stream.indirect_vreg.gather [hbm4b:s7+s3], $0x80, v3, vm0, $0xb8;
	[tilespmem:$0x18400] =	vst v63  }
0x1ed: {  	s11 =	sadd.s32 $0x1200, s24;
	s23 =	simm.s32 $0x9400  }
0x1ee: {  	[hbm4b:s11+s3] =	stream.linear.scatter [tilespmem:s23], [sflag:$0xC], $0x3000, $0x38;
	[tilespmem:$0x18400] =	vst v63  }
0x1ef: {  	_ =	swait.ge [sflag:s8], $0x3000  }
0x1f0: {  	[sflag:s8] =	ssyncset.done $0x0  }
0x1f1: {  	[sflag:s8] =	ssyncadd.s32 $0xFFFFD000  }
0x1f2: {  	_ =	swait.ge [sflag:s9], $0x3000  }
0x1f3: {  	[sflag:s9] =	ssyncset.done $0x0  }
0x1f4: {  	[sflag:s9] =	ssyncadd.s32 $0xFFFFD000  }
0x1f5: {  	v3 =	vld [tilespmem:s22+$0xFFFFFFD0];
	_ =	sdelay $0x4  }
0x1f6: {  	v60 =	vshrl.u32 v3, $0x3  }
0x1f7: {  	v4 =	vmul.u32 $0x30, v60  }
0x1f8: {  	v3 =	vand.u32 $0x7, v3  }
0x1f9: {  	v3 =	vor.u32 v3, v4  }
0x1fa: {  	v4 =	vperm.xlane v3, v0;
	_ =	sdelay $0x1  }
0x1fb: {  	v4 =	vadd.s32 v1, v4;
	_ =	sdelay $0x3  }
0x1fc: {  	v3 =	vperm.xlane v3, v2  }
0x1fd: {  	[tilespmem:s23], [sflag:$0x4] =	stream.indirect_vreg.gather [hbm4b:s1+s3], $0x80, v4, vm0, $0xb8;
	[tilespmem:$0x18400] =	vst v63  }
0x1fe: {  	s11 =	simm.s32 $0x9C00;
	v3 =	vadd.s32 v1, v3  }
0x1ff: {  	[tilespmem:s11], [sflag:$0x4] =	stream.indirect_vreg.gather [hbm4b:s5+s3], $0x80, v4, vm0, $0xb8;
	[tilespmem:$0x18400] =	vst v63  }
0x200: {  	s23 =	simm.s32 $0xA400  }
0x201: {  	[tilespmem:s23], [sflag:$0x4] =	stream.indirect_vreg.gather [hbm4b:s7+s3], $0x80, v4, vm0, $0xb8;
	[tilespmem:$0x18400] =	vst v63  }
0x202: {  	s25 =	simm.s32 $0xAC00  }
0x203: {  	[tilespmem:s25], [sflag:$0x4] =	stream.indirect_vreg.gather [hbm4b:s1+s3], $0x80, v3, vm0, $0xb8;
	[tilespmem:$0x18400] =	vst v63  }
0x204: {  	s23 =	simm.s32 $0xB400  }
0x205: {  	[tilespmem:s23], [sflag:$0x4] =	stream.indirect_vreg.gather [hbm4b:s5+s3], $0x80, v3, vm0, $0xb8;
	[tilespmem:$0x18400] =	vst v63  }
0x206: {  	s25 =	simm.s32 $0xBC00  }
0x207: {  	[tilespmem:s25], [sflag:$0x4] =	stream.indirect_vreg.gather [hbm4b:s7+s3], $0x80, v3, vm0, $0xb8;
	[tilespmem:$0x18400] =	vst v63  }
0x208: {  	s30 =	simm.s32 $0xC400;
	s23 =	sadd.s32 $0x1800, s24  }
0x209: {  	[hbm4b:s23+s3] =	stream.linear.scatter [tilespmem:s30], [sflag:$0xD], $0x3000, $0x38;
	[tilespmem:$0x18400] =	vst v63  }
0x20a: {  	_ =	swait.ge [sflag:s12], $0x3000  }
0x20b: {  	[sflag:s12] =	ssyncset.done $0x0  }
0x20c: {  	[sflag:s12] =	ssyncadd.s32 $0xFFFFD000  }
0x20d: {  	_ =	swait.ge [sflag:s13], $0x3000  }
0x20e: {  	[sflag:s13] =	ssyncset.done $0x0  }
0x20f: {  	[sflag:s13] =	ssyncadd.s32 $0xFFFFD000  }
0x210: {  	v3 =	vld [tilespmem:s22+$0xFFFFFFE0];
	_ =	sdelay $0x4  }
0x211: {  	v61 =	vshrl.u32 v3, $0x3  }
0x212: {  	v4 =	vmul.u32 $0x30, v61  }
0x213: {  	v3 =	vand.u32 $0x7, v3  }
0x214: {  	v3 =	vor.u32 v3, v4  }
0x215: {  	v4 =	vperm.xlane v3, v0;
	_ =	sdelay $0x1  }
0x216: {  	v4 =	vadd.s32 v1, v4;
	_ =	sdelay $0x3  }
0x217: {  	v3 =	vperm.xlane v3, v2  }
0x218: {  	[tilespmem:s30], [sflag:$0x5] =	stream.indirect_vreg.gather [hbm4b:s1+s3], $0x80, v4, vm0, $0xb8;
	[tilespmem:$0x18400] =	vst v63  }
0x219: {  	s25 =	simm.s32 $0xCC00;
	v3 =	vadd.s32 v1, v3  }
0x21a: {  	[tilespmem:s25], [sflag:$0x5] =	stream.indirect_vreg.gather [hbm4b:s5+s3], $0x80, v4, vm0, $0xb8;
	[tilespmem:$0x18400] =	vst v63  }
0x21b: {  	s25 =	simm.s32 $0xD400  }
0x21c: {  	[tilespmem:s25], [sflag:$0x5] =	stream.indirect_vreg.gather [hbm4b:s7+s3], $0x80, v4, vm0, $0xb8;
	[tilespmem:$0x18400] =	vst v63  }
0x21d: {  	s25 =	simm.s32 $0xDC00  }
0x21e: {  	[tilespmem:s25], [sflag:$0x5] =	stream.indirect_vreg.gather [hbm4b:s1+s3], $0x80, v3, vm0, $0xb8;
	[tilespmem:$0x18400] =	vst v63  }
0x21f: {  	s25 =	simm.s32 $0xE400  }
0x220: {  	[tilespmem:s25], [sflag:$0x5] =	stream.indirect_vreg.gather [hbm4b:s5+s3], $0x80, v3, vm0, $0xb8;
	[tilespmem:$0x18400] =	vst v63  }
0x221: {  	s25 =	simm.s32 $0xEC00  }
0x222: {  	[tilespmem:s25], [sflag:$0x5] =	stream.indirect_vreg.gather [hbm4b:s7+s3], $0x80, v3, vm0, $0xb8;
	[tilespmem:$0x18400] =	vst v63  }
0x223: {  	s11 =	sadd.s32 $0x1E00, s24;
	s30 =	simm.s32 $0xF400  }
0x224: {  	[hbm4b:s11+s3] =	stream.linear.scatter [tilespmem:s30], [sflag:$0xE], $0x3000, $0x38;
	[tilespmem:$0x18400] =	vst v63  }
0x225: {  	_ =	swait.ge [sflag:s14], $0x3000  }
0x226: {  	[sflag:s14] =	ssyncset.done $0x0  }
0x227: {  	[sflag:s14] =	ssyncadd.s32 $0xFFFFD000  }
0x228: {  	_ =	swait.ge [sflag:s15], $0x3000  }
0x229: {  	[sflag:s15] =	ssyncset.done $0x0  }
0x22a: {  	[sflag:s15] =	ssyncadd.s32 $0xFFFFD000  }
0x22b: {  	v3 =	vld [tilespmem:s22+$0xFFFFFFF0];
	_ =	sdelay $0x4  }
0x22c: {  	v62 =	vshrl.u32 v3, $0x3  }
0x22d: {  	v4 =	vmul.u32 $0x30, v62  }
0x22e: {  	v3 =	vand.u32 $0x7, v3  }
0x22f: {  	v3 =	vor.u32 v3, v4  }
0x230: {  	v4 =	vperm.xlane v3, v0;
	_ =	sdelay $0x1  }
0x231: {  	v4 =	vadd.s32 v1, v4;
	_ =	sdelay $0x3  }
0x232: {  	v3 =	vperm.xlane v3, v2  }
0x233: {  	[tilespmem:s30], [sflag:$0x6] =	stream.indirect_vreg.gather [hbm4b:s1+s3], $0x80, v4, vm0, $0xb8;
	[tilespmem:$0x18400] =	vst v63  }
0x234: {  	s11 =	simm.s32 $0xFC00;
	v3 =	vadd.s32 v1, v3  }
0x235: {  	[tilespmem:s11], [sflag:$0x6] =	stream.indirect_vreg.gather [hbm4b:s5+s3], $0x80, v4, vm0, $0xb8;
	[tilespmem:$0x18400] =	vst v63  }
0x236: {  	s11 =	simm.s32 $0x10400  }
0x237: {  	[tilespmem:s11], [sflag:$0x6] =	stream.indirect_vreg.gather [hbm4b:s7+s3], $0x80, v4, vm0, $0xb8;
	[tilespmem:$0x18400] =	vst v63  }
0x238: {  	s11 =	simm.s32 $0x10C00  }
0x239: {  	[tilespmem:s11], [sflag:$0x6] =	stream.indirect_vreg.gather [hbm4b:s1+s3], $0x80, v3, vm0, $0xb8;
	[tilespmem:$0x18400] =	vst v63  }
0x23a: {  	s11 =	simm.s32 $0x11400  }
0x23b: {  	[tilespmem:s11], [sflag:$0x6] =	stream.indirect_vreg.gather [hbm4b:s5+s3], $0x80, v3, vm0, $0xb8;
	[tilespmem:$0x18400] =	vst v63  }
0x23c: {  	s11 =	simm.s32 $0x11C00  }
0x23d: {  	[tilespmem:s11], [sflag:$0x6] =	stream.indirect_vreg.gather [hbm4b:s7+s3], $0x80, v3, vm0, $0xb8;
	[tilespmem:$0x18400] =	vst v63  }
0x23e: {  	s24 =	sadd.s32 $0x2400, s24;
	s11 =	simm.s32 $0x12400  }
0x23f: {  	[hbm4b:s24+s3] =	stream.linear.scatter [tilespmem:s11], [sflag:$0xF], $0x3000, $0x38;
	[tilespmem:$0x18400] =	vst v63  }
0x240: {  	_ =	swait.ge [sflag:s16], $0x3000  }
0x241: {  	[sflag:s16] =	ssyncset.done $0x0  }
0x242: {  	[sflag:s16] =	ssyncadd.s32 $0xFFFFD000  }
0x243: {  	_ =	swait.ge [sflag:s20], $0x3000  }
0x244: {  	[sflag:s20] =	ssyncset.done $0x0  }
0x245: {  	[sflag:s20] =	ssyncadd.s32 $0xFFFFD000  }
0x246: {  	v3 =	vld [tilespmem:s22+$0x0];
	_ =	sdelay $0x4  }
0x247: {  	v63 =	vshrl.u32 v3, $0x3  }
0x248: {  	v4 =	vmul.u32 $0x30, v63  }
0x249: {  	v3 =	vand.u32 $0x7, v3  }
0x24a: {  	v3 =	vor.u32 v3, v4  }
0x24b: {  	v4 =	vperm.xlane v3, v0;
	_ =	sdelay $0x1  }
0x24c: {  	v4 =	vadd.s32 v1, v4;
	_ =	sdelay $0x3  }
0x24d: {  	v3 =	vperm.xlane v3, v2  }
0x24e: {  	[tilespmem:s11], [sflag:$0x7] =	stream.indirect_vreg.gather [hbm4b:s1+s3], $0x80, v4, vm0, $0xb8;
	[tilespmem:$0x18400] =	vst v63  }
0x24f: {  	s24 =	simm.s32 $0x12C00;
	v3 =	vadd.s32 v1, v3  }
0x250: {  	[tilespmem:s24], [sflag:$0x7] =	stream.indirect_vreg.gather [hbm4b:s5+s3], $0x80, v4, vm0, $0xb8;
	[tilespmem:$0x18400] =	vst v63  }
0x251: {  	p0 =	sne.s32 s6, $0xF000;
	s24 =	simm.s32 $0x13400  }
0x252: {  	[tilespmem:s24], [sflag:$0x7] =	stream.indirect_vreg.gather [hbm4b:s7+s3], $0x80, v4, vm0, $0xb8;
	[tilespmem:$0x18400] =	vst v63  }
0x253: {  	s2 =	simm.s32 $0x400;
	s19 =	simm.s32 $0x3400;
	s24 =	simm.s32 $0x13C00  }
0x254: {  	[tilespmem:s24], [sflag:$0x7] =	stream.indirect_vreg.gather [hbm4b:s1+s3], $0x80, v3, vm0, $0xb8;
	[tilespmem:$0x18400] =	vst v63  }
0x255: {  	s17 =	simm.s32 $0x6400;
	s10 =	simm.s32 $0x9400;
	s24 =	simm.s32 $0x14400  }
0x256: {  	[tilespmem:s24], [sflag:$0x7] =	stream.indirect_vreg.gather [hbm4b:s5+s3], $0x80, v3, vm0, $0xb8;
	[tilespmem:$0x18400] =	vst v63  }
.Ltmp0:
0x257: {  	s23 =	simm.s32 $0xC400;
	s25 =	simm.s32 $0xF400;
	(pc) =	sbr.rel @p0 .LBB2_2-.Ltmp0, $4  }
0x258: {  	s30 =	simm.s32 $0x12400;
	s11 =	simm.s32 $0x14C00;
	s24 =	rddreg [dreg:$0x4]  }
0x259: {  	[tilespmem:s11], [sflag:$0x7] =	stream.indirect_vreg.gather [hbm4b:s7+s3], $0x80, v3, vm0, $0xb8;
	[tilespmem:$0x18400] =	vst v63  }
0x25a: {  	s22 =	sadd.s32 $0x80, s22;
	s24 =	sadd.s32 s6, s24;
	s6 =	sadd.s32 $0x3000, s6  }
0x25b: {  	[hbm4b:s24+s3] =	stream.linear.scatter [tilespmem:s18], [sflag:$0x10], $0x3000, $0x38;
	[tilespmem:$0x18400] =	vst v63  }
0x25c: {  	s6 =	simm.s32 $0x1  }
0x25d: {  	_ =	swait.ge [sflag:s6], $0x3000  }
0x25e: {  	[sflag:s6] =	ssyncset.done $0x0  }
0x25f: {  	[sflag:s6] =	ssyncadd.s32 $0xFFFFD000  }
0x260: {  	_ =	swait.ge [sflag:s21], $0x3000  }
0x261: {  	[sflag:s21] =	ssyncset.done $0x0  }
0x262: {  	[sflag:s21] =	ssyncadd.s32 $0xFFFFD000  }
0x263: {  	v3 =	vld [tilespmem:$0x3F0];
	_ =	sdelay $0x4  }
0x264: {  	v4 =	vshrl.u32 v3, $0x3  }
0x265: {  	v4 =	vmul.u32 $0x30, v4  }
0x266: {  	v3 =	vand.u32 $0x7, v3  }
0x267: {  	v3 =	vor.u32 v3, v4  }
0x268: {  	v4 =	vperm.xlane v3, v0;
	_ =	sdelay $0x1  }
0x269: {  	v4 =	vadd.s32 v1, v4;
	_ =	sdelay $0x3  }
0x26a: {  	s11 =	simm.s32 $0x15400;
	v3 =	vperm.xlane v3, v2  }
0x26b: {  	[tilespmem:s11], [sflag:$0x8] =	stream.indirect_vreg.gather [hbm4b:s1+s3], $0x80, v4, vm0, $0xb8;
	[tilespmem:$0x18400] =	vst v63  }
0x26c: {  	s24 =	simm.s32 $0x15C00;
	v3 =	vadd.s32 v1, v3  }
0x26d: {  	[tilespmem:s24], [sflag:$0x8] =	stream.indirect_vreg.gather [hbm4b:s5+s3], $0x80, v4, vm0, $0xb8;
	[tilespmem:$0x18400] =	vst v63  }
0x26e: {  	s18 =	simm.s32 $0x16400  }
0x26f: {  	[tilespmem:s18], [sflag:$0x8] =	stream.indirect_vreg.gather [hbm4b:s7+s3], $0x80, v4, vm0, $0xb8;
	[tilespmem:$0x18400] =	vst v63  }
0x270: {  	s22 =	simm.s32 $0x16C00  }
0x271: {  	[tilespmem:s22], [sflag:$0x8] =	stream.indirect_vreg.gather [hbm4b:s1+s3], $0x80, v3, vm0, $0xb8;
	[tilespmem:$0x18400] =	vst v63  }
0x272: {  	s24 =	simm.s32 $0x17400  }
0x273: {  	[tilespmem:s24], [sflag:$0x8] =	stream.indirect_vreg.gather [hbm4b:s5+s3], $0x80, v3, vm0, $0xb8;
	[tilespmem:$0x18400] =	vst v63  }
0x274: {  	s18 =	simm.s32 $0x17C00  }
0x275: {  	[tilespmem:s18], [sflag:$0x8] =	stream.indirect_vreg.gather [hbm4b:s7+s3], $0x80, v3, vm0, $0xb8;
	[tilespmem:$0x18400] =	vst v63  }
0x276: {  	s22 =	rddreg [dreg:$0xf]  }
0x277: {  	[hbm4b:s22+s3] =	stream.linear.scatter [tilespmem:s2], [sflag:$0x9], $0x3000, $0x38;
	[tilespmem:$0x18400] =	vst v63  }
0x278: {  	_ =	swait.ge [sflag:s26], $0x3000  }
0x279: {  	[sflag:s26] =	ssyncset.done $0x0  }
0x27a: {  	[sflag:s26] =	ssyncadd.s32 $0xFFFFD000  }
0x27b: {  	_ =	swait.ge [sflag:s28], $0x3000  }
0x27c: {  	[sflag:s28] =	ssyncset.done $0x0  }
0x27d: {  	s24 =	rddreg [dreg:$0x10];
	[sflag:s28] =	ssyncadd.s32 $0xFFFFD000  }
0x27e: {  	[hbm4b:s24+s3] =	stream.linear.scatter [tilespmem:s19], [sflag:$0xA], $0x3000, $0x38;
	[tilespmem:$0x18400] =	vst v63  }
0x27f: {  	_ =	swait.ge [sflag:s29], $0x3000  }
0x280: {  	[sflag:s29] =	ssyncset.done $0x0  }
0x281: {  	[sflag:s29] =	ssyncadd.s32 $0xFFFFD000  }
0x282: {  	_ =	swait.ge [sflag:s31], $0x3000  }
0x283: {  	[sflag:s31] =	ssyncset.done $0x0  }
0x284: {  	s2 =	rddreg [dreg:$0x11];
	[sflag:s31] =	ssyncadd.s32 $0xFFFFD000  }
0x285: {  	[hbm4b:s2+s3] =	stream.linear.scatter [tilespmem:s17], [sflag:$0xB], $0x3000, $0x38;
	[tilespmem:$0x18400] =	vst v63  }
0x286: {  	_ =	swait.ge [sflag:s0], $0x3000  }
0x287: {  	[sflag:s0] =	ssyncset.done $0x0  }
0x288: {  	[sflag:s0] =	ssyncadd.s32 $0xFFFFD000  }
0x289: {  	_ =	swait.ge [sflag:s4], $0x3000  }
0x28a: {  	[sflag:s4] =	ssyncset.done $0x0  }
0x28b: {  	s17 =	rddreg [dreg:$0x12];
	[sflag:s4] =	ssyncadd.s32 $0xFFFFD000  }
0x28c: {  	[hbm4b:s17+s3] =	stream.linear.scatter [tilespmem:s10], [sflag:$0xC], $0x3000, $0x38;
	[tilespmem:$0x18400] =	vst v63  }
0x28d: {  	_ =	swait.ge [sflag:s8], $0x3000  }
0x28e: {  	[sflag:s8] =	ssyncset.done $0x0  }
0x28f: {  	[sflag:s8] =	ssyncadd.s32 $0xFFFFD000  }
0x290: {  	_ =	swait.ge [sflag:s9], $0x3000  }
0x291: {  	[sflag:s9] =	ssyncset.done $0x0  }
0x292: {  	s18 =	rddreg [dreg:$0x13];
	[sflag:s9] =	ssyncadd.s32 $0xFFFFD000  }
0x293: {  	[hbm4b:s18+s3] =	stream.linear.scatter [tilespmem:s23], [sflag:$0xD], $0x3000, $0x38;
	[tilespmem:$0x18400] =	vst v63  }
0x294: {  	_ =	swait.ge [sflag:s12], $0x3000  }
0x295: {  	[sflag:s12] =	ssyncset.done $0x0  }
0x296: {  	[sflag:s12] =	ssyncadd.s32 $0xFFFFD000  }
0x297: {  	_ =	swait.ge [sflag:s13], $0x3000  }
0x298: {  	[sflag:s13] =	ssyncset.done $0x0  }
0x299: {  	s19 =	rddreg [dreg:$0x14];
	[sflag:s13] =	ssyncadd.s32 $0xFFFFD000  }
0x29a: {  	[hbm4b:s19+s3] =	stream.linear.scatter [tilespmem:s25], [sflag:$0xE], $0x3000, $0x38;
	[tilespmem:$0x18400] =	vst v63  }
0x29b: {  	_ =	swait.ge [sflag:s14], $0x3000  }
0x29c: {  	[sflag:s14] =	ssyncset.done $0x0  }
0x29d: {  	[sflag:s14] =	ssyncadd.s32 $0xFFFFD000  }
0x29e: {  	_ =	swait.ge [sflag:s15], $0x3000  }
0x29f: {  	[sflag:s15] =	ssyncset.done $0x0  }
0x2a0: {  	s22 =	rddreg [dreg:$0x15];
	[sflag:s15] =	ssyncadd.s32 $0xFFFFD000  }
0x2a1: {  	[hbm4b:s22+s3] =	stream.linear.scatter [tilespmem:s30], [sflag:$0xF], $0x3000, $0x38;
	[tilespmem:$0x18400] =	vst v63  }
0x2a2: {  	_ =	swait.ge [sflag:s16], $0x3000  }
0x2a3: {  	[sflag:s16] =	ssyncset.done $0x0  }
0x2a4: {  	[sflag:s16] =	ssyncadd.s32 $0xFFFFD000  }
0x2a5: {  	_ =	swait.ge [sflag:s20], $0x3000  }
0x2a6: {  	[sflag:s20] =	ssyncset.done $0x0  }
0x2a7: {  	s23 =	rddreg [dreg:$0x16];
	[sflag:s20] =	ssyncadd.s32 $0xFFFFD000  }
0x2a8: {  	[hbm4b:s23+s3] =	stream.linear.scatter [tilespmem:s11], [sflag:$0x10], $0x3000, $0x38;
	[tilespmem:$0x18400] =	vst v63  }
0x2a9: {  	_ =	swait.ge [sflag:s21], $0x3000  }
0x2aa: {  	s24 =	rddreg [dreg:$0x18]  }
0x2ab: {  	s25 =	rddreg [dreg:$0x17];
	s2 =	sadd.s32 $0x1, s24  }
0x2ac: {  	p0 =	sne.s32 s2, s25  }
.Ltmp1:
0x2ad: {  	_ = 	snop;
	(pc) =	sbr.rel @p0 .LBB2_1-.Ltmp1, $4  }
0x2ae: {  	s17 =	simm.s32 $0x1C00  }
0x2af: {  	s19 =	simm.s32 $0x3C00;
	s22 =	simm.s32 $0xC00;
	s30 =	simm.s32 $0x4C00  }
0x2b0: {  	s11 =	simm.s32 $0x1400;
	s23 =	simm.s32 $0x2400;
	[sflag:s21] =	ssyncset.done $0x0  }
0x2b1: {  	[sflag:s21] =	ssyncadd.s32 $0xFFFFD000;
	s24 =	simm.s32 $0x2C00;
	s25 =	simm.s32 $0x4400  }
0x2b2: {  	_ =	sfence.sel $0x180000  }
0x2b3: {  	[bflag:$0x0] =	sbarrier.arrive $0xFFFF  }
0x2b4: {  	_ =	strace $0x90000047  }
0x2b5: {  	s0 =	stileid.u32;
	[bflag:$0x2] =	sbarrier.arrive $0xFFFF  }
0x2b6: {  	p0 =	sne.s32 s0, $0x0;
	s0 =	rddreg [dreg:$0x3]  }
0x2b7: {  	s0 =	sadd.s32 @!p0 $0x100000, s0  }
0x2b8: {  	[sflag:s0] =	ssyncadd.tile.s32 @!p0 $0x1;
	_ =	shalt  }
.Lfunc_end2:
_tile_overlayer_lowered:
.L_overlay_start_2:
0x2b9: {  	(tag) =	ssettag $0x2  }
0x2ba: {  	s0 =	rddreg [dreg:$0x0];
	s2 =	stileid.u32  }
0x2bb: {  	s1 =	rddreg [dreg:$0x1];
	p0 =	sne.s32 s2, $0x0  }
0x2bc: {  	s3 =	rddreg [dreg:$0x2];
	[bflag:$0x3] =	sbarrier.arrive $0xFFFF;
	s2 =	simm.s32 @!p0 $0x1C11  }
0x2bd: {  	[timem:s3], [sflag:s2] =	dma.local @!p0 [hbm:s0], s1  }
0x2be: {  	s0 =	simm.s32 @!p0 $0x11  }
0x2bf: {  	_ =	swait.ge @!p0 [sflag:s0], s1  }
0x2c0: {  	s1 =	ssub.s32 @!p0 $0x0, s1;
	[sflag:s0] =	ssyncset.done @!p0 $0x0  }
0x2c1: {  	[sflag:s0] =	ssyncadd.s32 @!p0 s1  }
0x2c2: {  	[bflag:$0x3] =	sbarrier.arrive $0xFFFF  }
0x2c3: {  	_ =	shalt  }

</sc_bundles>
